<compile_context>
chip_gen: v7x
topology: tpu7x:2x2x1
jax: 0.10.2.dev20260603
libtpu: 0.0.44.dev20260713+nightly
codegen_flags: <defaults>
</compile_context>

<pallas_src>
import functools

import jax
import jax.numpy as jnp
from jax import lax
from jax.experimental import pallas as pl
from jax.experimental.pallas import tpu as pltpu
from jax.experimental.pallas import tpu_sc as plsc

B = 16384
D = 128
NC = 2
NS = 16
NW = NC * NS
BPW = B // NW
CH = 128
NCH = BPW // CH
L = 16
NBUF = 2


def _body(table_h, idx1_h, idx2_h, wb_h, out_h,
          idx1_v, idx2_v, rows1_v, rows2_v, wb_v, out_v,
          sem1, sem2):
    c = lax.axis_index("c")
    s = lax.axis_index("s")
    wid = s * NC + c

    pltpu.sync_copy(idx1_h.at[wid], idx1_v)
    pltpu.sync_copy(idx2_h.at[wid], idx2_v)
    pltpu.sync_copy(wb_h, wb_v)

    wv = [wb_v[pl.ds(k * L, L)] for k in range(2 * D // L)]
    bv = wb_v[pl.ds(2 * D, L)]
    iota = lax.iota(jnp.int32, L)

    def start(ci, buf):
        pltpu.async_copy(
            table_h.at[idx1_v.at[ci]], rows1_v.at[buf], sem1.at[buf])
        pltpu.async_copy(
            table_h.at[idx2_v.at[ci]], rows2_v.at[buf], sem2.at[buf])

    def drain(buf):
        dummy = table_h.at[pl.ds(0, CH)]
        pltpu.make_async_copy(dummy, rows1_v.at[buf], sem1.at[buf]).wait()
        pltpu.make_async_copy(dummy, rows2_v.at[buf], sem2.at[buf]).wait()

    start(0, 0)

    def chunk(ci, _):
        buf = lax.rem(ci, NBUF)

        @pl.when(ci + 1 < NCH)
        def _():
            start(ci + 1, lax.rem(ci + 1, NBUF))

        drain(buf)

        def group(g, _):
            base = g * L

            def sub(j, out16):
                r0 = base + j * 2
                for i in range(2):
                    r = r0 + i
                    acc = wv[0] * rows1_v[buf, r, pl.ds(0, L)]
                    for k in range(1, D // L):
                        acc = acc + wv[k] * rows1_v[buf, r, pl.ds(k * L, L)]
                    for k in range(D // L):
                        acc = acc + wv[D // L + k] * rows2_v[buf, r,
                                                            pl.ds(k * L, L)]
                    out16 = jnp.where(iota == j * 2 + i,
                                      out16 + jnp.sum(acc), out16)
                return out16

            out16 = lax.fori_loop(0, 8, sub, bv)
            y = 1.0 / (1.0 + jnp.exp(-out16))
            out_v[pl.ds(ci * CH + base, L)] = y
            return 0

        lax.fori_loop(0, CH // L, group, 0)
        return 0

    lax.fori_loop(0, NCH, chunk, 0)

    pltpu.sync_copy(out_v, out_h.at[pl.ds(wid * BPW, BPW)])


@jax.jit
def _run(table, idx1, idx2, wb):
    mesh = plsc.VectorSubcoreMesh(core_axis_name="c", subcore_axis_name="s")
    k = functools.partial(
        pl.kernel,
        mesh=mesh,
        compiler_params=pltpu.CompilerParams(needs_layout_passes=False),
        out_type=jax.ShapeDtypeStruct((B,), jnp.float32),
        scratch_types=[
            pltpu.VMEM((NCH, CH), jnp.int32),
            pltpu.VMEM((NCH, CH), jnp.int32),
            pltpu.VMEM((NBUF, CH, D), jnp.float32),
            pltpu.VMEM((NBUF, CH, D), jnp.float32),
            pltpu.VMEM((2 * D + L,), jnp.float32),
            pltpu.VMEM((BPW,), jnp.float32),
            pltpu.SemaphoreType.DMA((NBUF,)),
            pltpu.SemaphoreType.DMA((NBUF,)),
        ],
    )(_body)
    return k(table, idx1, idx2, wb)


def kernel(input1, input2, emb_table, fc_w, fc_b):
    idx1 = input1.astype(jnp.int32).reshape(NW, NCH, CH)
    idx2 = input2.astype(jnp.int32).reshape(NW, NCH, CH)
    wb = jnp.concatenate(
        [fc_w.reshape(2 * D),
         jnp.broadcast_to(fc_b.reshape(1), (L,)).astype(jnp.float32)])
    out = _run(emb_table, idx1, idx2, wb)
    return out.reshape(B, 1)

# --- scband reference (transcript-rebuilt; emitter-appended) ---
"""Pipeline reference for scband-siamese-network-18021682774424 (READ-ONLY COPY).

The authoritative reference and input builder live on the scoring server;
editing this copy changes nothing except your own understanding.
"""

import jax, jax.numpy as jnp
import numpy as np

NUM_EMBEDDINGS = 1000000
EMBED_DIM = 128
BATCH = 16384

def setup_inputs(seed: int = 0) -> dict:
    key = jax.random.key(seed)
    k1, k2, k3, k4 = jax.random.split(key, 4)
    input1 = jax.random.randint(k1, (BATCH,), 0, NUM_EMBEDDINGS, dtype=jnp.int64)
    input2 = jax.random.randint(k2, (BATCH,), 0, NUM_EMBEDDINGS, dtype=jnp.int64)
    emb_table = jax.random.normal(k3, (NUM_EMBEDDINGS, EMBED_DIM), dtype=jnp.float32) * 0.02
    fc_w = jax.random.normal(k4, (2 * EMBED_DIM, 1), dtype=jnp.float32) * 0.05
    fc_b = jnp.zeros((1,), dtype=jnp.float32)
    return {"input1": input1, "input2": input2, "emb_table": emb_table, "fc_w": fc_w, "fc_b": fc_b}

def reference(input1, input2, emb_table, fc_w, fc_b):
    # forward_once: embedding lookup then flatten (flatten is identity for 1-D index input)
    out1 = jnp.take(emb_table, input1, axis=0)  # [B, 128]
    out1 = out1.reshape(out1.shape[0], -1)
    out2 = jnp.take(emb_table, input2, axis=0)  # [B, 128]
    out2 = out2.reshape(out2.shape[0], -1)
    out = jnp.concatenate([out1, out2], axis=1)  # [B, 256]
    out = out @ fc_w + fc_b                      # [B, 1]
    return jax.nn.sigmoid(out)

if __name__ == "__main__":
    import jax
    _d = setup_inputs()
    print(jax.jit(kernel)(*tuple(_d.values())))

</pallas_src>

<mosaic_0001>
#map = affine_map<(d0, d1) -> (0, 0)>
#map1 = affine_map<(d0, d1) -> (0, 0, 0)>
#map2 = affine_map<(d0, d1) -> (0)>
module attributes {stable_mosaic.version = 14 : i64} {
  func.func @_body(%arg0: i32, %arg1: i32, %arg2: memref<1000000x128xf32, #tpu.memory_space<hbm>>, %arg3: memref<32x4x128xi32, #tpu.memory_space<hbm>>, %arg4: memref<32x4x128xi32, #tpu.memory_space<hbm>>, %arg5: memref<272xf32, #tpu.memory_space<hbm>>, %arg6: memref<16384xf32, #tpu.memory_space<hbm>>, %arg7: memref<4x128xi32, #tpu.memory_space<vmem>>, %arg8: memref<4x128xi32, #tpu.memory_space<vmem>>, %arg9: memref<2x128x128xf32, #tpu.memory_space<vmem>>, %arg10: memref<2x128x128xf32, #tpu.memory_space<vmem>>, %arg11: memref<272xf32, #tpu.memory_space<vmem>>, %arg12: memref<512xf32, #tpu.memory_space<vmem>>, %arg13: memref<2x!tpu.dma_semaphore, #tpu.memory_space<semaphore_mem>>, %arg14: memref<2x!tpu.dma_semaphore, #tpu.memory_space<semaphore_mem>>) attributes {dimension_semantics = [#tpu.dimension_semantics<core_parallel>, #tpu.dimension_semantics<subcore_parallel>], iteration_bounds = array<i64: 2, 16>, scalar_prefetch = 0 : i64, scratch_operands = 8 : i64, tpu.core_type = #tpu.core_type<sc_vector_subcore>, window_params = [{transform_indices = #map}, {transform_indices = #map1}, {transform_indices = #map1}, {transform_indices = #map2}, {transform_indices = #map2}]} {
    %mul3A = arith.constant 2 : i32
    %mul3A_0 = arith.muli %arg1, %mul3A : i32
    %add3A = arith.addi %mul3A_0, %arg0 : i32
    "tpu.region"() ({
      %run_scoped3A = tpu.sem_alloc : memref<!tpu.dma_semaphore, #tpu.memory_space<semaphore_mem>>
      %dma_start3A_71 = arith.constant 0 : i32
      %dma_start3A_72 = arith.constant 0 : i32
      %dma_start3A_73 = tpu.memref_slice %arg3[%add3A, %dma_start3A_71, %dma_start3A_72] : memref<32x4x128xi32, #tpu.memory_space<hbm>> -> memref<1x4x128xi32, #tpu.memory_space<hbm>>
      %dma_start3A_74 = tpu.memref_squeeze %dma_start3A_73 : memref<1x4x128xi32, #tpu.memory_space<hbm>> -> memref<4x128xi32, #tpu.memory_space<hbm>>
      %dma_start3A_75 = arith.constant 0 : i32
      %dma_start3A_76 = arith.constant 0 : i32
      %dma_start3A_77 = tpu.memref_slice %arg3[%add3A, %dma_start3A_75, %dma_start3A_76] : memref<32x4x128xi32, #tpu.memory_space<hbm>> -> memref<1x4x128xi32, #tpu.memory_space<hbm>>
      %dma_start3A_78 = tpu.memref_squeeze %dma_start3A_77 : memref<1x4x128xi32, #tpu.memory_space<hbm>> -> memref<4x128xi32, #tpu.memory_space<hbm>>
      tpu.enqueue_dma source(%dma_start3A_78 : memref<4x128xi32, #tpu.memory_space<hbm>>) target(%arg7 : memref<4x128xi32, #tpu.memory_space<vmem>>) target_semaphore(%run_scoped3A : memref<!tpu.dma_semaphore, #tpu.memory_space<semaphore_mem>>)
      %dma_wait3A = arith.constant 0 : i32
      %dma_wait3A_79 = arith.constant 0 : i32
      %dma_wait3A_80 = tpu.memref_slice %arg3[%add3A, %dma_wait3A, %dma_wait3A_79] : memref<32x4x128xi32, #tpu.memory_space<hbm>> -> memref<1x4x128xi32, #tpu.memory_space<hbm>>
      %dma_wait3A_81 = tpu.memref_squeeze %dma_wait3A_80 : memref<1x4x128xi32, #tpu.memory_space<hbm>> -> memref<4x128xi32, #tpu.memory_space<hbm>>
      %dma_wait3A_82 = arith.constant 0 : i32
      %dma_wait3A_83 = arith.constant 0 : i32
      %dma_wait3A_84 = tpu.memref_slice %arg3[%add3A, %dma_wait3A_82, %dma_wait3A_83] : memref<32x4x128xi32, #tpu.memory_space<hbm>> -> memref<1x4x128xi32, #tpu.memory_space<hbm>>
      %dma_wait3A_85 = tpu.memref_squeeze %dma_wait3A_84 : memref<1x4x128xi32, #tpu.memory_space<hbm>> -> memref<4x128xi32, #tpu.memory_space<hbm>>
      tpu.wait_dma2 semaphore(%run_scoped3A : memref<!tpu.dma_semaphore, #tpu.memory_space<semaphore_mem>>) src(%dma_wait3A_85 : memref<4x128xi32, #tpu.memory_space<hbm>>) dst(%arg7 : memref<4x128xi32, #tpu.memory_space<vmem>>)
      tpu.yield
    }) : () -> ()
    "tpu.region"() ({
      %run_scoped3A = tpu.sem_alloc : memref<!tpu.dma_semaphore, #tpu.memory_space<semaphore_mem>>
      %dma_start3A_71 = arith.constant 0 : i32
      %dma_start3A_72 = arith.constant 0 : i32
      %dma_start3A_73 = tpu.memref_slice %arg4[%add3A, %dma_start3A_71, %dma_start3A_72] : memref<32x4x128xi32, #tpu.memory_space<hbm>> -> memref<1x4x128xi32, #tpu.memory_space<hbm>>
      %dma_start3A_74 = tpu.memref_squeeze %dma_start3A_73 : memref<1x4x128xi32, #tpu.memory_space<hbm>> -> memref<4x128xi32, #tpu.memory_space<hbm>>
      %dma_start3A_75 = arith.constant 0 : i32
      %dma_start3A_76 = arith.constant 0 : i32
      %dma_start3A_77 = tpu.memref_slice %arg4[%add3A, %dma_start3A_75, %dma_start3A_76] : memref<32x4x128xi32, #tpu.memory_space<hbm>> -> memref<1x4x128xi32, #tpu.memory_space<hbm>>
      %dma_start3A_78 = tpu.memref_squeeze %dma_start3A_77 : memref<1x4x128xi32, #tpu.memory_space<hbm>> -> memref<4x128xi32, #tpu.memory_space<hbm>>
      tpu.enqueue_dma source(%dma_start3A_78 : memref<4x128xi32, #tpu.memory_space<hbm>>) target(%arg8 : memref<4x128xi32, #tpu.memory_space<vmem>>) target_semaphore(%run_scoped3A : memref<!tpu.dma_semaphore, #tpu.memory_space<semaphore_mem>>)
      %dma_wait3A = arith.constant 0 : i32
      %dma_wait3A_79 = arith.constant 0 : i32
      %dma_wait3A_80 = tpu.memref_slice %arg4[%add3A, %dma_wait3A, %dma_wait3A_79] : memref<32x4x128xi32, #tpu.memory_space<hbm>> -> memref<1x4x128xi32, #tpu.memory_space<hbm>>
      %dma_wait3A_81 = tpu.memref_squeeze %dma_wait3A_80 : memref<1x4x128xi32, #tpu.memory_space<hbm>> -> memref<4x128xi32, #tpu.memory_space<hbm>>
      %dma_wait3A_82 = arith.constant 0 : i32
      %dma_wait3A_83 = arith.constant 0 : i32
      %dma_wait3A_84 = tpu.memref_slice %arg4[%add3A, %dma_wait3A_82, %dma_wait3A_83] : memref<32x4x128xi32, #tpu.memory_space<hbm>> -> memref<1x4x128xi32, #tpu.memory_space<hbm>>
      %dma_wait3A_85 = tpu.memref_squeeze %dma_wait3A_84 : memref<1x4x128xi32, #tpu.memory_space<hbm>> -> memref<4x128xi32, #tpu.memory_space<hbm>>
      tpu.wait_dma2 semaphore(%run_scoped3A : memref<!tpu.dma_semaphore, #tpu.memory_space<semaphore_mem>>) src(%dma_wait3A_85 : memref<4x128xi32, #tpu.memory_space<hbm>>) dst(%arg8 : memref<4x128xi32, #tpu.memory_space<vmem>>)
      tpu.yield
    }) : () -> ()
    "tpu.region"() ({
      %run_scoped3A = tpu.sem_alloc : memref<!tpu.dma_semaphore, #tpu.memory_space<semaphore_mem>>
      tpu.enqueue_dma source(%arg5 : memref<272xf32, #tpu.memory_space<hbm>>) target(%arg11 : memref<272xf32, #tpu.memory_space<vmem>>) target_semaphore(%run_scoped3A : memref<!tpu.dma_semaphore, #tpu.memory_space<semaphore_mem>>)
      tpu.wait_dma2 semaphore(%run_scoped3A : memref<!tpu.dma_semaphore, #tpu.memory_space<semaphore_mem>>) src(%arg5 : memref<272xf32, #tpu.memory_space<hbm>>) dst(%arg11 : memref<272xf32, #tpu.memory_space<vmem>>)
      tpu.yield
    }) : () -> ()
    %get3A = arith.constant 0 : index
    %get3A_1 = tpu.vector_load %arg11[%get3A] {strides = array<i32>} : memref<272xf32, #tpu.memory_space<vmem>>, vector<16xf32>,
    %get3A_2 = arith.constant 16 : index
    %get3A_3 = tpu.vector_load %arg11[%get3A_2] {strides = array<i32>} : memref<272xf32, #tpu.memory_space<vmem>>, vector<16xf32>,
    %get3A_4 = arith.constant 32 : index
    %get3A_5 = tpu.vector_load %arg11[%get3A_4] {strides = array<i32>} : memref<272xf32, #tpu.memory_space<vmem>>, vector<16xf32>,
    %get3A_6 = arith.constant 48 : index
    %get3A_7 = tpu.vector_load %arg11[%get3A_6] {strides = array<i32>} : memref<272xf32, #tpu.memory_space<vmem>>, vector<16xf32>,
    %get3A_8 = arith.constant 64 : index
    %get3A_9 = tpu.vector_load %arg11[%get3A_8] {strides = array<i32>} : memref<272xf32, #tpu.memory_space<vmem>>, vector<16xf32>,
    %get3A_10 = arith.constant 80 : index
    %get3A_11 = tpu.vector_load %arg11[%get3A_10] {strides = array<i32>} : memref<272xf32, #tpu.memory_space<vmem>>, vector<16xf32>,
    %get3A_12 = arith.constant 96 : index
    %get3A_13 = tpu.vector_load %arg11[%get3A_12] {strides = array<i32>} : memref<272xf32, #tpu.memory_space<vmem>>, vector<16xf32>,
    %get3A_14 = arith.constant 112 : index
    %get3A_15 = tpu.vector_load %arg11[%get3A_14] {strides = array<i32>} : memref<272xf32, #tpu.memory_space<vmem>>, vector<16xf32>,
    %get3A_16 = arith.constant 128 : index
    %get3A_17 = tpu.vector_load %arg11[%get3A_16] {strides = array<i32>} : memref<272xf32, #tpu.memory_space<vmem>>, vector<16xf32>,
    %get3A_18 = arith.constant 144 : index
    %get3A_19 = tpu.vector_load %arg11[%get3A_18] {strides = array<i32>} : memref<272xf32, #tpu.memory_space<vmem>>, vector<16xf32>,
    %get3A_20 = arith.constant 160 : index
    %get3A_21 = tpu.vector_load %arg11[%get3A_20] {strides = array<i32>} : memref<272xf32, #tpu.memory_space<vmem>>, vector<16xf32>,
    %get3A_22 = arith.constant 176 : index
    %get3A_23 = tpu.vector_load %arg11[%get3A_22] {strides = array<i32>} : memref<272xf32, #tpu.memory_space<vmem>>, vector<16xf32>,
    %get3A_24 = arith.constant 192 : index
    %get3A_25 = tpu.vector_load %arg11[%get3A_24] {strides = array<i32>} : memref<272xf32, #tpu.memory_space<vmem>>, vector<16xf32>,
    %get3A_26 = arith.constant 208 : index
    %get3A_27 = tpu.vector_load %arg11[%get3A_26] {strides = array<i32>} : memref<272xf32, #tpu.memory_space<vmem>>, vector<16xf32>,
    %get3A_28 = arith.constant 224 : index
    %get3A_29 = tpu.vector_load %arg11[%get3A_28] {strides = array<i32>} : memref<272xf32, #tpu.memory_space<vmem>>, vector<16xf32>,
    %get3A_30 = arith.constant 240 : index
    %get3A_31 = tpu.vector_load %arg11[%get3A_30] {strides = array<i32>} : memref<272xf32, #tpu.memory_space<vmem>>, vector<16xf32>,
    %get3A_32 = arith.constant 256 : index
    %get3A_33 = tpu.vector_load %arg11[%get3A_32] {strides = array<i32>} : memref<272xf32, #tpu.memory_space<vmem>>, vector<16xf32>,
    %iota3A = tpu.iota {dimensions = array<i32: 0>} : vector<16xi32>
    %dma_start3A = arith.constant 0 : i32
    %dma_start3A_34 = arith.constant 0 : i32
    %dma_start3A_35 = arith.constant 0 : i32
    %dma_start3A_36 = arith.constant 0 : i32
    %dma_start3A_37 = arith.constant 0 : i32
    %dma_start3A_38 = tpu.memref_slice %arg9[%dma_start3A_34, %dma_start3A_36, %dma_start3A_37] : memref<2x128x128xf32, #tpu.memory_space<vmem>> -> memref<1x128x128xf32, #tpu.memory_space<vmem>>
    %dma_start3A_39 = tpu.memref_squeeze %dma_start3A_38 : memref<1x128x128xf32, #tpu.memory_space<vmem>> -> memref<128x128xf32, #tpu.memory_space<vmem>>
    %dma_start3A_40 = arith.constant 0 : i32
    %dma_start3A_41 = tpu.memref_slice %arg7[%dma_start3A, %dma_start3A_40] : memref<4x128xi32, #tpu.memory_space<vmem>> -> memref<1x128xi32, #tpu.memory_space<vmem>>
    %dma_start3A_42 = tpu.memref_squeeze %dma_start3A_41 : memref<1x128xi32, #tpu.memory_space<vmem>> -> memref<128xi32, #tpu.memory_space<vmem>>
    %dma_start3A_43 = arith.constant 0 : i32
    %dma_start3A_44 = arith.constant 0 : i32
    %dma_start3A_45 = tpu.memref_slice %arg2[%dma_start3A_43, %dma_start3A_44] : memref<1000000x128xf32, #tpu.memory_space<hbm>> -> memref<1000000x128xf32, #tpu.memory_space<hbm>>
    %dma_start3A_46 = tpu.memref_slice %arg13[%dma_start3A_35] : memref<2x!tpu.dma_semaphore, #tpu.memory_space<semaphore_mem>> -> memref<1x!tpu.dma_semaphore, #tpu.memory_space<semaphore_mem>>
    %dma_start3A_47 = tpu.memref_squeeze %dma_start3A_46 : memref<1x!tpu.dma_semaphore, #tpu.memory_space<semaphore_mem>> -> memref<!tpu.dma_semaphore, #tpu.memory_space<semaphore_mem>>
    tpu.enqueue_indirect_dma source(%dma_start3A_45 : memref<1000000x128xf32, #tpu.memory_space<hbm>>) target(%dma_start3A_39 : memref<128x128xf32, #tpu.memory_space<vmem>>) offsets(%dma_start3A_42 : memref<128xi32, #tpu.memory_space<vmem>>) semaphore(%dma_start3A_47 : memref<!tpu.dma_semaphore, #tpu.memory_space<semaphore_mem>>)
    %dma_start3A_48 = arith.constant 0 : i32
    %dma_start3A_49 = arith.constant 0 : i32
    %dma_start3A_50 = arith.constant 0 : i32
    %dma_start3A_51 = arith.constant 0 : i32
    %dma_start3A_52 = arith.constant 0 : i32
    %dma_start3A_53 = tpu.memref_slice %arg10[%dma_start3A_49, %dma_start3A_51, %dma_start3A_52] : memref<2x128x128xf32, #tpu.memory_space<vmem>> -> memref<1x128x128xf32, #tpu.memory_space<vmem>>
    %dma_start3A_54 = tpu.memref_squeeze %dma_start3A_53 : memref<1x128x128xf32, #tpu.memory_space<vmem>> -> memref<128x128xf32, #tpu.memory_space<vmem>>
    %dma_start3A_55 = arith.constant 0 : i32
    %dma_start3A_56 = tpu.memref_slice %arg8[%dma_start3A_48, %dma_start3A_55] : memref<4x128xi32, #tpu.memory_space<vmem>> -> memref<1x128xi32, #tpu.memory_space<vmem>>
    %dma_start3A_57 = tpu.memref_squeeze %dma_start3A_56 : memref<1x128xi32, #tpu.memory_space<vmem>> -> memref<128xi32, #tpu.memory_space<vmem>>
    %dma_start3A_58 = arith.constant 0 : i32
    %dma_start3A_59 = arith.constant 0 : i32
    %dma_start3A_60 = tpu.memref_slice %arg2[%dma_start3A_58, %dma_start3A_59] : memref<1000000x128xf32, #tpu.memory_space<hbm>> -> memref<1000000x128xf32, #tpu.memory_space<hbm>>
    %dma_start3A_61 = tpu.memref_slice %arg14[%dma_start3A_50] : memref<2x!tpu.dma_semaphore, #tpu.memory_space<semaphore_mem>> -> memref<1x!tpu.dma_semaphore, #tpu.memory_space<semaphore_mem>>
    %dma_start3A_62 = tpu.memref_squeeze %dma_start3A_61 : memref<1x!tpu.dma_semaphore, #tpu.memory_space<semaphore_mem>> -> memref<!tpu.dma_semaphore, #tpu.memory_space<semaphore_mem>>
    tpu.enqueue_indirect_dma source(%dma_start3A_60 : memref<1000000x128xf32, #tpu.memory_space<hbm>>) target(%dma_start3A_54 : memref<128x128xf32, #tpu.memory_space<vmem>>) offsets(%dma_start3A_57 : memref<128xi32, #tpu.memory_space<vmem>>) semaphore(%dma_start3A_62 : memref<!tpu.dma_semaphore, #tpu.memory_space<semaphore_mem>>)
    %scan3A = arith.constant 0 : i32
    %scan3A_63 = arith.constant 0 : i32
    %scan3A_64 = arith.constant 4 : i32
    %scan3A_65 = arith.addi %scan3A_63, %scan3A_64 : i32
    %scan3A_66 = arith.constant 1 : i32
    %scan3A_67 = scf.for %scan3A_71 = %scan3A_63 to %scan3A_65 step %scan3A_66 iter_args(%scan3A_72 = %scan3A) -> (i32)  : i32 {
      %rem3A = arith.constant 2 : i32
      %rem3A_73 = arith.remsi %scan3A_71, %rem3A : i32
      %add3A_74 = arith.constant 1 : i32
      %add3A_75 = arith.addi %scan3A_71, %add3A_74 : i32
      %lt3A = arith.constant 4 : i32
      %lt3A_76 = arith.cmpi slt, %add3A_75, %lt3A : i32
      %convert_element_type3A = arith.extui %lt3A_76 : i1 to i32
      %cond3A = arith.constant 0 : i32
      %cond3A_77 = arith.cmpi ne, %convert_element_type3A, %cond3A : i32
      scf.if %cond3A_77 {
        %add3A_117 = arith.constant 1 : i32
        %add3A_118 = arith.addi %scan3A_71, %add3A_117 : i32
        %add3A_119 = arith.constant 1 : i32
        %add3A_120 = arith.addi %scan3A_71, %add3A_119 : i32
        %rem3A_121 = arith.constant 2 : i32
        %rem3A_122 = arith.remsi %add3A_120, %rem3A_121 : i32
        %dma_start3A_123 = arith.constant 0 : i32
        %dma_start3A_124 = arith.constant 0 : i32
        %dma_start3A_125 = tpu.memref_slice %arg9[%rem3A_122, %dma_start3A_123, %dma_start3A_124] : memref<2x128x128xf32, #tpu.memory_space<vmem>> -> memref<1x128x128xf32, #tpu.memory_space<vmem>>
        %dma_start3A_126 = tpu.memref_squeeze %dma_start3A_125 : memref<1x128x128xf32, #tpu.memory_space<vmem>> -> memref<128x128xf32, #tpu.memory_space<vmem>>
        %dma_start3A_127 = arith.constant 0 : i32
        %dma_start3A_128 = tpu.memref_slice %arg7[%add3A_118, %dma_start3A_127] : memref<4x128xi32, #tpu.memory_space<vmem>> -> memref<1x128xi32, #tpu.memory_space<vmem>>
        %dma_start3A_129 = tpu.memref_squeeze %dma_start3A_128 : memref<1x128xi32, #tpu.memory_space<vmem>> -> memref<128xi32, #tpu.memory_space<vmem>>
        %dma_start3A_130 = arith.constant 0 : i32
        %dma_start3A_131 = arith.constant 0 : i32
        %dma_start3A_132 = tpu.memref_slice %arg2[%dma_start3A_130, %dma_start3A_131] : memref<1000000x128xf32, #tpu.memory_space<hbm>> -> memref<1000000x128xf32, #tpu.memory_space<hbm>>
        %dma_start3A_133 = tpu.memref_slice %arg13[%rem3A_122] : memref<2x!tpu.dma_semaphore, #tpu.memory_space<semaphore_mem>> -> memref<1x!tpu.dma_semaphore, #tpu.memory_space<semaphore_mem>>
        %dma_start3A_134 = tpu.memref_squeeze %dma_start3A_133 : memref<1x!tpu.dma_semaphore, #tpu.memory_space<semaphore_mem>> -> memref<!tpu.dma_semaphore, #tpu.memory_space<semaphore_mem>>
        tpu.enqueue_indirect_dma source(%dma_start3A_132 : memref<1000000x128xf32, #tpu.memory_space<hbm>>) target(%dma_start3A_126 : memref<128x128xf32, #tpu.memory_space<vmem>>) offsets(%dma_start3A_129 : memref<128xi32, #tpu.memory_space<vmem>>) semaphore(%dma_start3A_134 : memref<!tpu.dma_semaphore, #tpu.memory_space<semaphore_mem>>)
        %dma_start3A_135 = arith.constant 0 : i32
        %dma_start3A_136 = arith.constant 0 : i32
        %dma_start3A_137 = tpu.memref_slice %arg10[%rem3A_122, %dma_start3A_135, %dma_start3A_136] : memref<2x128x128xf32, #tpu.memory_space<vmem>> -> memref<1x128x128xf32, #tpu.memory_space<vmem>>
        %dma_start3A_138 = tpu.memref_squeeze %dma_start3A_137 : memref<1x128x128xf32, #tpu.memory_space<vmem>> -> memref<128x128xf32, #tpu.memory_space<vmem>>
        %dma_start3A_139 = arith.constant 0 : i32
        %dma_start3A_140 = tpu.memref_slice %arg8[%add3A_118, %dma_start3A_139] : memref<4x128xi32, #tpu.memory_space<vmem>> -> memref<1x128xi32, #tpu.memory_space<vmem>>
        %dma_start3A_141 = tpu.memref_squeeze %dma_start3A_140 : memref<1x128xi32, #tpu.memory_space<vmem>> -> memref<128xi32, #tpu.memory_space<vmem>>
        %dma_start3A_142 = arith.constant 0 : i32
        %dma_start3A_143 = arith.constant 0 : i32
        %dma_start3A_144 = tpu.memref_slice %arg2[%dma_start3A_142, %dma_start3A_143] : memref<1000000x128xf32, #tpu.memory_space<hbm>> -> memref<1000000x128xf32, #tpu.memory_space<hbm>>
        %dma_start3A_145 = tpu.memref_slice %arg14[%rem3A_122] : memref<2x!tpu.dma_semaphore, #tpu.memory_space<semaphore_mem>> -> memref<1x!tpu.dma_semaphore, #tpu.memory_space<semaphore_mem>>
        %dma_start3A_146 = tpu.memref_squeeze %dma_start3A_145 : memref<1x!tpu.dma_semaphore, #tpu.memory_space<semaphore_mem>> -> memref<!tpu.dma_semaphore, #tpu.memory_space<semaphore_mem>>
        tpu.enqueue_indirect_dma source(%dma_start3A_144 : memref<1000000x128xf32, #tpu.memory_space<hbm>>) target(%dma_start3A_138 : memref<128x128xf32, #tpu.memory_space<vmem>>) offsets(%dma_start3A_141 : memref<128xi32, #tpu.memory_space<vmem>>) semaphore(%dma_start3A_146 : memref<!tpu.dma_semaphore, #tpu.memory_space<semaphore_mem>>)
      } else {
      }
      %dma_wait3A = arith.constant 0 : i32
      %dma_wait3A_78 = arith.constant 0 : i32
      %dma_wait3A_79 = tpu.memref_slice %arg9[%rem3A_73, %dma_wait3A, %dma_wait3A_78] : memref<2x128x128xf32, #tpu.memory_space<vmem>> -> memref<1x128x128xf32, #tpu.memory_space<vmem>>
      %dma_wait3A_80 = tpu.memref_squeeze %dma_wait3A_79 : memref<1x128x128xf32, #tpu.memory_space<vmem>> -> memref<128x128xf32, #tpu.memory_space<vmem>>
      %dma_wait3A_81 = arith.constant 0 : i32
      %dma_wait3A_82 = arith.constant 0 : i32
      %dma_wait3A_83 = tpu.memref_slice %arg2[%dma_wait3A_81, %dma_wait3A_82] : memref<1000000x128xf32, #tpu.memory_space<hbm>> -> memref<128x128xf32, #tpu.memory_space<hbm>>
      %dma_wait3A_84 = tpu.memref_slice %arg13[%rem3A_73] : memref<2x!tpu.dma_semaphore, #tpu.memory_space<semaphore_mem>> -> memref<1x!tpu.dma_semaphore, #tpu.memory_space<semaphore_mem>>
      %dma_wait3A_85 = tpu.memref_squeeze %dma_wait3A_84 : memref<1x!tpu.dma_semaphore, #tpu.memory_space<semaphore_mem>> -> memref<!tpu.dma_semaphore, #tpu.memory_space<semaphore_mem>>
      %dma_wait3A_86 = arith.constant 0 : i32
      %dma_wait3A_87 = arith.constant 0 : i32
      %dma_wait3A_88 = tpu.memref_slice %arg9[%rem3A_73, %dma_wait3A_86, %dma_wait3A_87] : memref<2x128x128xf32, #tpu.memory_space<vmem>> -> memref<1x128x128xf32, #tpu.memory_space<vmem>>
      %dma_wait3A_89 = tpu.memref_squeeze %dma_wait3A_88 : memref<1x128x128xf32, #tpu.memory_space<vmem>> -> memref<128x128xf32, #tpu.memory_space<vmem>>
      %dma_wait3A_90 = arith.constant 0 : i32
      %dma_wait3A_91 = arith.constant 0 : i32
      %dma_wait3A_92 = tpu.memref_slice %arg2[%dma_wait3A_90, %dma_wait3A_91] : memref<1000000x128xf32, #tpu.memory_space<hbm>> -> memref<128x128xf32, #tpu.memory_space<hbm>>
      tpu.wait_dma2 semaphore(%dma_wait3A_85 : memref<!tpu.dma_semaphore, #tpu.memory_space<semaphore_mem>>) src(%dma_wait3A_92 : memref<128x128xf32, #tpu.memory_space<hbm>>) dst(%dma_wait3A_89 : memref<128x128xf32, #tpu.memory_space<vmem>>)
      %dma_wait3A_93 = arith.constant 0 : i32
      %dma_wait3A_94 = arith.constant 0 : i32
      %dma_wait3A_95 = tpu.memref_slice %arg10[%rem3A_73, %dma_wait3A_93, %dma_wait3A_94] : memref<2x128x128xf32, #tpu.memory_space<vmem>> -> memref<1x128x128xf32, #tpu.memory_space<vmem>>
      %dma_wait3A_96 = tpu.memref_squeeze %dma_wait3A_95 : memref<1x128x128xf32, #tpu.memory_space<vmem>> -> memref<128x128xf32, #tpu.memory_space<vmem>>
      %dma_wait3A_97 = arith.constant 0 : i32
      %dma_wait3A_98 = arith.constant 0 : i32
      %dma_wait3A_99 = tpu.memref_slice %arg2[%dma_wait3A_97, %dma_wait3A_98] : memref<1000000x128xf32, #tpu.memory_space<hbm>> -> memref<128x128xf32, #tpu.memory_space<hbm>>
      %dma_wait3A_100 = tpu.memref_slice %arg14[%rem3A_73] : memref<2x!tpu.dma_semaphore, #tpu.memory_space<semaphore_mem>> -> memref<1x!tpu.dma_semaphore, #tpu.memory_space<semaphore_mem>>
      %dma_wait3A_101 = tpu.memref_squeeze %dma_wait3A_100 : memref<1x!tpu.dma_semaphore, #tpu.memory_space<semaphore_mem>> -> memref<!tpu.dma_semaphore, #tpu.memory_space<semaphore_mem>>
      %dma_wait3A_102 = arith.constant 0 : i32
      %dma_wait3A_103 = arith.constant 0 : i32
      %dma_wait3A_104 = tpu.memref_slice %arg10[%rem3A_73, %dma_wait3A_102, %dma_wait3A_103] : memref<2x128x128xf32, #tpu.memory_space<vmem>> -> memref<1x128x128xf32, #tpu.memory_space<vmem>>
      %dma_wait3A_105 = tpu.memref_squeeze %dma_wait3A_104 : memref<1x128x128xf32, #tpu.memory_space<vmem>> -> memref<128x128xf32, #tpu.memory_space<vmem>>
      %dma_wait3A_106 = arith.constant 0 : i32
      %dma_wait3A_107 = arith.constant 0 : i32
      %dma_wait3A_108 = tpu.memref_slice %arg2[%dma_wait3A_106, %dma_wait3A_107] : memref<1000000x128xf32, #tpu.memory_space<hbm>> -> memref<128x128xf32, #tpu.memory_space<hbm>>
      tpu.wait_dma2 semaphore(%dma_wait3A_101 : memref<!tpu.dma_semaphore, #tpu.memory_space<semaphore_mem>>) src(%dma_wait3A_108 : memref<128x128xf32, #tpu.memory_space<hbm>>) dst(%dma_wait3A_105 : memref<128x128xf32, #tpu.memory_space<vmem>>)
      %scan3A_109 = arith.constant 0 : i32
      %scan3A_110 = arith.constant 0 : i32
      %scan3A_111 = arith.constant 8 : i32
      %scan3A_112 = arith.addi %scan3A_110, %scan3A_111 : i32
      %scan3A_113 = arith.constant 1 : i32
      %scan3A_114 = scf.for %scan3A_117 = %scan3A_110 to %scan3A_112 step %scan3A_113 iter_args(%scan3A_118 = %scan3A_109) -> (i32)  : i32 {
        %mul3A_119 = arith.constant 16 : i32
        %mul3A_120 = arith.muli %scan3A_117, %mul3A_119 : i32
        %scan3A_121 = arith.constant 0 : i32
        %scan3A_122 = arith.constant 8 : i32
        %scan3A_123 = arith.addi %scan3A_121, %scan3A_122 : i32
        %scan3A_124 = arith.constant 1 : i32
        %scan3A_125 = scf.for %scan3A_139 = %scan3A_121 to %scan3A_123 step %scan3A_124 iter_args(%scan3A_140 = %get3A_33) -> (vector<16xf32>)  : i32 {
          %mul3A_141 = arith.constant 2 : i32
          %mul3A_142 = arith.muli %scan3A_139, %mul3A_141 : i32
          %add3A_143 = arith.addi %mul3A_120, %mul3A_142 : i32
          %add3A_144 = arith.constant 0 : i32
          %add3A_145 = arith.addi %add3A_143, %add3A_144 : i32
          %get3A_146 = arith.index_cast %rem3A_73 : i32 to index
          %get3A_147 = arith.index_cast %add3A_145 : i32 to index
          %get3A_148 = arith.constant 0 : index
          %get3A_149 = tpu.vector_load %arg9[%get3A_146, %get3A_147, %get3A_148] {strides = array<i32>} : memref<2x128x128xf32, #tpu.memory_space<vmem>>, vector<16xf32>,
          %mul3A_150 = arith.mulf %get3A_1, %get3A_149 : vector<16xf32>
          %get3A_151 = arith.index_cast %rem3A_73 : i32 to index
          %get3A_152 = arith.index_cast %add3A_145 : i32 to index
          %get3A_153 = arith.constant 16 : index
          %get3A_154 = tpu.vector_load %arg9[%get3A_151, %get3A_152, %get3A_153] {strides = array<i32>} : memref<2x128x128xf32, #tpu.memory_space<vmem>>, vector<16xf32>,
          %mul3A_155 = arith.mulf %get3A_3, %get3A_154 : vector<16xf32>
          %add3A_156 = arith.addf %mul3A_150, %mul3A_155 : vector<16xf32>
          %get3A_157 = arith.index_cast %rem3A_73 : i32 to index
          %get3A_158 = arith.index_cast %add3A_145 : i32 to index
          %get3A_159 = arith.constant 32 : index
          %get3A_160 = tpu.vector_load %arg9[%get3A_157, %get3A_158, %get3A_159] {strides = array<i32>} : memref<2x128x128xf32, #tpu.memory_space<vmem>>, vector<16xf32>,
          %mul3A_161 = arith.mulf %get3A_5, %get3A_160 : vector<16xf32>
          %add3A_162 = arith.addf %add3A_156, %mul3A_161 : vector<16xf32>
          %get3A_163 = arith.index_cast %rem3A_73 : i32 to index
          %get3A_164 = arith.index_cast %add3A_145 : i32 to index
          %get3A_165 = arith.constant 48 : index
          %get3A_166 = tpu.vector_load %arg9[%get3A_163, %get3A_164, %get3A_165] {strides = array<i32>} : memref<2x128x128xf32, #tpu.memory_space<vmem>>, vector<16xf32>,
          %mul3A_167 = arith.mulf %get3A_7, %get3A_166 : vector<16xf32>
          %add3A_168 = arith.addf %add3A_162, %mul3A_167 : vector<16xf32>
          %get3A_169 = arith.index_cast %rem3A_73 : i32 to index
          %get3A_170 = arith.index_cast %add3A_145 : i32 to index
          %get3A_171 = arith.constant 64 : index
          %get3A_172 = tpu.vector_load %arg9[%get3A_169, %get3A_170, %get3A_171] {strides = array<i32>} : memref<2x128x128xf32, #tpu.memory_space<vmem>>, vector<16xf32>,
          %mul3A_173 = arith.mulf %get3A_9, %get3A_172 : vector<16xf32>
          %add3A_174 = arith.addf %add3A_168, %mul3A_173 : vector<16xf32>
          %get3A_175 = arith.index_cast %rem3A_73 : i32 to index
          %get3A_176 = arith.index_cast %add3A_145 : i32 to index
          %get3A_177 = arith.constant 80 : index
          %get3A_178 = tpu.vector_load %arg9[%get3A_175, %get3A_176, %get3A_177] {strides = array<i32>} : memref<2x128x128xf32, #tpu.memory_space<vmem>>, vector<16xf32>,
          %mul3A_179 = arith.mulf %get3A_11, %get3A_178 : vector<16xf32>
          %add3A_180 = arith.addf %add3A_174, %mul3A_179 : vector<16xf32>
          %get3A_181 = arith.index_cast %rem3A_73 : i32 to index
          %get3A_182 = arith.index_cast %add3A_145 : i32 to index
          %get3A_183 = arith.constant 96 : index
          %get3A_184 = tpu.vector_load %arg9[%get3A_181, %get3A_182, %get3A_183] {strides = array<i32>} : memref<2x128x128xf32, #tpu.memory_space<vmem>>, vector<16xf32>,
          %mul3A_185 = arith.mulf %get3A_13, %get3A_184 : vector<16xf32>
          %add3A_186 = arith.addf %add3A_180, %mul3A_185 : vector<16xf32>
          %get3A_187 = arith.index_cast %rem3A_73 : i32 to index
          %get3A_188 = arith.index_cast %add3A_145 : i32 to index
          %get3A_189 = arith.constant 112 : index
          %get3A_190 = tpu.vector_load %arg9[%get3A_187, %get3A_188, %get3A_189] {strides = array<i32>} : memref<2x128x128xf32, #tpu.memory_space<vmem>>, vector<16xf32>,
          %mul3A_191 = arith.mulf %get3A_15, %get3A_190 : vector<16xf32>
          %add3A_192 = arith.addf %add3A_186, %mul3A_191 : vector<16xf32>
          %get3A_193 = arith.index_cast %rem3A_73 : i32 to index
          %get3A_194 = arith.index_cast %add3A_145 : i32 to index
          %get3A_195 = arith.constant 0 : index
          %get3A_196 = tpu.vector_load %arg10[%get3A_193, %get3A_194, %get3A_195] {strides = array<i32>} : memref<2x128x128xf32, #tpu.memory_space<vmem>>, vector<16xf32>,
          %mul3A_197 = arith.mulf %get3A_17, %get3A_196 : vector<16xf32>
          %add3A_198 = arith.addf %add3A_192, %mul3A_197 : vector<16xf32>
          %get3A_199 = arith.index_cast %rem3A_73 : i32 to index
          %get3A_200 = arith.index_cast %add3A_145 : i32 to index
          %get3A_201 = arith.constant 16 : index
          %get3A_202 = tpu.vector_load %arg10[%get3A_199, %get3A_200, %get3A_201] {strides = array<i32>} : memref<2x128x128xf32, #tpu.memory_space<vmem>>, vector<16xf32>,
          %mul3A_203 = arith.mulf %get3A_19, %get3A_202 : vector<16xf32>
          %add3A_204 = arith.addf %add3A_198, %mul3A_203 : vector<16xf32>
          %get3A_205 = arith.index_cast %rem3A_73 : i32 to index
          %get3A_206 = arith.index_cast %add3A_145 : i32 to index
          %get3A_207 = arith.constant 32 : index
          %get3A_208 = tpu.vector_load %arg10[%get3A_205, %get3A_206, %get3A_207] {strides = array<i32>} : memref<2x128x128xf32, #tpu.memory_space<vmem>>, vector<16xf32>,
          %mul3A_209 = arith.mulf %get3A_21, %get3A_208 : vector<16xf32>
          %add3A_210 = arith.addf %add3A_204, %mul3A_209 : vector<16xf32>
          %get3A_211 = arith.index_cast %rem3A_73 : i32 to index
          %get3A_212 = arith.index_cast %add3A_145 : i32 to index
          %get3A_213 = arith.constant 48 : index
          %get3A_214 = tpu.vector_load %arg10[%get3A_211, %get3A_212, %get3A_213] {strides = array<i32>} : memref<2x128x128xf32, #tpu.memory_space<vmem>>, vector<16xf32>,
          %mul3A_215 = arith.mulf %get3A_23, %get3A_214 : vector<16xf32>
          %add3A_216 = arith.addf %add3A_210, %mul3A_215 : vector<16xf32>
          %get3A_217 = arith.index_cast %rem3A_73 : i32 to index
          %get3A_218 = arith.index_cast %add3A_145 : i32 to index
          %get3A_219 = arith.constant 64 : index
          %get3A_220 = tpu.vector_load %arg10[%get3A_217, %get3A_218, %get3A_219] {strides = array<i32>} : memref<2x128x128xf32, #tpu.memory_space<vmem>>, vector<16xf32>,
          %mul3A_221 = arith.mulf %get3A_25, %get3A_220 : vector<16xf32>
          %add3A_222 = arith.addf %add3A_216, %mul3A_221 : vector<16xf32>
          %get3A_223 = arith.index_cast %rem3A_73 : i32 to index
          %get3A_224 = arith.index_cast %add3A_145 : i32 to index
          %get3A_225 = arith.constant 80 : index
          %get3A_226 = tpu.vector_load %arg10[%get3A_223, %get3A_224, %get3A_225] {strides = array<i32>} : memref<2x128x128xf32, #tpu.memory_space<vmem>>, vector<16xf32>,
          %mul3A_227 = arith.mulf %get3A_27, %get3A_226 : vector<16xf32>
          %add3A_228 = arith.addf %add3A_222, %mul3A_227 : vector<16xf32>
          %get3A_229 = arith.index_cast %rem3A_73 : i32 to index
          %get3A_230 = arith.index_cast %add3A_145 : i32 to index
          %get3A_231 = arith.constant 96 : index
          %get3A_232 = tpu.vector_load %arg10[%get3A_229, %get3A_230, %get3A_231] {strides = array<i32>} : memref<2x128x128xf32, #tpu.memory_space<vmem>>, vector<16xf32>,
          %mul3A_233 = arith.mulf %get3A_29, %get3A_232 : vector<16xf32>
          %add3A_234 = arith.addf %add3A_228, %mul3A_233 : vector<16xf32>
          %get3A_235 = arith.index_cast %rem3A_73 : i32 to index
          %get3A_236 = arith.index_cast %add3A_145 : i32 to index
          %get3A_237 = arith.constant 112 : index
          %get3A_238 = tpu.vector_load %arg10[%get3A_235, %get3A_236, %get3A_237] {strides = array<i32>} : memref<2x128x128xf32, #tpu.memory_space<vmem>>, vector<16xf32>,
          %mul3A_239 = arith.mulf %get3A_31, %get3A_238 : vector<16xf32>
          %add3A_240 = arith.addf %add3A_234, %mul3A_239 : vector<16xf32>
          %mul3A_241 = arith.constant 2 : i32
          %mul3A_242 = arith.muli %scan3A_139, %mul3A_241 : i32
          %add3A_243 = arith.constant 0 : i32
          %add3A_244 = arith.addi %mul3A_242, %add3A_243 : i32
          %eq3A = vector.broadcast %add3A_244 : i32 to vector<16xi32>
          %eq3A_245 = arith.cmpi eq, %iota3A, %eq3A : vector<16xi32>
          %reduce_sum3A = arith.constant true
          %reduce_sum3A_246 = vector.broadcast %reduce_sum3A : i1 to vector<16xi1>
          %reduce_sum3A_247 = tpu.scan <sum>, %add3A_240 masked %reduce_sum3A_246 : vector<16xf32>, vector<16xi1> -> vector<16xf32>
          %reduce_sum3A_248 = vector.extract %reduce_sum3A_247[15] : f32 from vector<16xf32>
          %add3A_249 = vector.broadcast %reduce_sum3A_248 : f32 to vector<16xf32>
          %add3A_250 = arith.addf %scan3A_140, %add3A_249 : vector<16xf32>
          %select_n3A = arith.select %eq3A_245, %add3A_250, %scan3A_140 : vector<16xi1>, vector<16xf32>
          %add3A_251 = arith.constant 1 : i32
          %add3A_252 = arith.addi %add3A_143, %add3A_251 : i32
          %get3A_253 = arith.index_cast %rem3A_73 : i32 to index
          %get3A_254 = arith.index_cast %add3A_252 : i32 to index
          %get3A_255 = arith.constant 0 : index
          %get3A_256 = tpu.vector_load %arg9[%get3A_253, %get3A_254, %get3A_255] {strides = array<i32>} : memref<2x128x128xf32, #tpu.memory_space<vmem>>, vector<16xf32>,
          %mul3A_257 = arith.mulf %get3A_1, %get3A_256 : vector<16xf32>
          %get3A_258 = arith.index_cast %rem3A_73 : i32 to index
          %get3A_259 = arith.index_cast %add3A_252 : i32 to index
          %get3A_260 = arith.constant 16 : index
          %get3A_261 = tpu.vector_load %arg9[%get3A_258, %get3A_259, %get3A_260] {strides = array<i32>} : memref<2x128x128xf32, #tpu.memory_space<vmem>>, vector<16xf32>,
          %mul3A_262 = arith.mulf %get3A_3, %get3A_261 : vector<16xf32>
          %add3A_263 = arith.addf %mul3A_257, %mul3A_262 : vector<16xf32>
          %get3A_264 = arith.index_cast %rem3A_73 : i32 to index
          %get3A_265 = arith.index_cast %add3A_252 : i32 to index
          %get3A_266 = arith.constant 32 : index
          %get3A_267 = tpu.vector_load %arg9[%get3A_264, %get3A_265, %get3A_266] {strides = array<i32>} : memref<2x128x128xf32, #tpu.memory_space<vmem>>, vector<16xf32>,
          %mul3A_268 = arith.mulf %get3A_5, %get3A_267 : vector<16xf32>
          %add3A_269 = arith.addf %add3A_263, %mul3A_268 : vector<16xf32>
          %get3A_270 = arith.index_cast %rem3A_73 : i32 to index
          %get3A_271 = arith.index_cast %add3A_252 : i32 to index
          %get3A_272 = arith.constant 48 : index
          %get3A_273 = tpu.vector_load %arg9[%get3A_270, %get3A_271, %get3A_272] {strides = array<i32>} : memref<2x128x128xf32, #tpu.memory_space<vmem>>, vector<16xf32>,
          %mul3A_274 = arith.mulf %get3A_7, %get3A_273 : vector<16xf32>
          %add3A_275 = arith.addf %add3A_269, %mul3A_274 : vector<16xf32>
          %get3A_276 = arith.index_cast %rem3A_73 : i32 to index
          %get3A_277 = arith.index_cast %add3A_252 : i32 to index
          %get3A_278 = arith.constant 64 : index
          %get3A_279 = tpu.vector_load %arg9[%get3A_276, %get3A_277, %get3A_278] {strides = array<i32>} : memref<2x128x128xf32, #tpu.memory_space<vmem>>, vector<16xf32>,
          %mul3A_280 = arith.mulf %get3A_9, %get3A_279 : vector<16xf32>
          %add3A_281 = arith.addf %add3A_275, %mul3A_280 : vector<16xf32>
          %get3A_282 = arith.index_cast %rem3A_73 : i32 to index
          %get3A_283 = arith.index_cast %add3A_252 : i32 to index
          %get3A_284 = arith.constant 80 : index
          %get3A_285 = tpu.vector_load %arg9[%get3A_282, %get3A_283, %get3A_284] {strides = array<i32>} : memref<2x128x128xf32, #tpu.memory_space<vmem>>, vector<16xf32>,
          %mul3A_286 = arith.mulf %get3A_11, %get3A_285 : vector<16xf32>
          %add3A_287 = arith.addf %add3A_281, %mul3A_286 : vector<16xf32>
          %get3A_288 = arith.index_cast %rem3A_73 : i32 to index
          %get3A_289 = arith.index_cast %add3A_252 : i32 to index
          %get3A_290 = arith.constant 96 : index
          %get3A_291 = tpu.vector_load %arg9[%get3A_288, %get3A_289, %get3A_290] {strides = array<i32>} : memref<2x128x128xf32, #tpu.memory_space<vmem>>, vector<16xf32>,
          %mul3A_292 = arith.mulf %get3A_13, %get3A_291 : vector<16xf32>
          %add3A_293 = arith.addf %add3A_287, %mul3A_292 : vector<16xf32>
          %get3A_294 = arith.index_cast %rem3A_73 : i32 to index
          %get3A_295 = arith.index_cast %add3A_252 : i32 to index
          %get3A_296 = arith.constant 112 : index
          %get3A_297 = tpu.vector_load %arg9[%get3A_294, %get3A_295, %get3A_296] {strides = array<i32>} : memref<2x128x128xf32, #tpu.memory_space<vmem>>, vector<16xf32>,
          %mul3A_298 = arith.mulf %get3A_15, %get3A_297 : vector<16xf32>
          %add3A_299 = arith.addf %add3A_293, %mul3A_298 : vector<16xf32>
          %get3A_300 = arith.index_cast %rem3A_73 : i32 to index
          %get3A_301 = arith.index_cast %add3A_252 : i32 to index
          %get3A_302 = arith.constant 0 : index
          %get3A_303 = tpu.vector_load %arg10[%get3A_300, %get3A_301, %get3A_302] {strides = array<i32>} : memref<2x128x128xf32, #tpu.memory_space<vmem>>, vector<16xf32>,
          %mul3A_304 = arith.mulf %get3A_17, %get3A_303 : vector<16xf32>
          %add3A_305 = arith.addf %add3A_299, %mul3A_304 : vector<16xf32>
          %get3A_306 = arith.index_cast %rem3A_73 : i32 to index
          %get3A_307 = arith.index_cast %add3A_252 : i32 to index
          %get3A_308 = arith.constant 16 : index
          %get3A_309 = tpu.vector_load %arg10[%get3A_306, %get3A_307, %get3A_308] {strides = array<i32>} : memref<2x128x128xf32, #tpu.memory_space<vmem>>, vector<16xf32>,
          %mul3A_310 = arith.mulf %get3A_19, %get3A_309 : vector<16xf32>
          %add3A_311 = arith.addf %add3A_305, %mul3A_310 : vector<16xf32>
          %get3A_312 = arith.index_cast %rem3A_73 : i32 to index
          %get3A_313 = arith.index_cast %add3A_252 : i32 to index
          %get3A_314 = arith.constant 32 : index
          %get3A_315 = tpu.vector_load %arg10[%get3A_312, %get3A_313, %get3A_314] {strides = array<i32>} : memref<2x128x128xf32, #tpu.memory_space<vmem>>, vector<16xf32>,
          %mul3A_316 = arith.mulf %get3A_21, %get3A_315 : vector<16xf32>
          %add3A_317 = arith.addf %add3A_311, %mul3A_316 : vector<16xf32>
          %get3A_318 = arith.index_cast %rem3A_73 : i32 to index
          %get3A_319 = arith.index_cast %add3A_252 : i32 to index
          %get3A_320 = arith.constant 48 : index
          %get3A_321 = tpu.vector_load %arg10[%get3A_318, %get3A_319, %get3A_320] {strides = array<i32>} : memref<2x128x128xf32, #tpu.memory_space<vmem>>, vector<16xf32>,
          %mul3A_322 = arith.mulf %get3A_23, %get3A_321 : vector<16xf32>
          %add3A_323 = arith.addf %add3A_317, %mul3A_322 : vector<16xf32>
          %get3A_324 = arith.index_cast %rem3A_73 : i32 to index
          %get3A_325 = arith.index_cast %add3A_252 : i32 to index
          %get3A_326 = arith.constant 64 : index
          %get3A_327 = tpu.vector_load %arg10[%get3A_324, %get3A_325, %get3A_326] {strides = array<i32>} : memref<2x128x128xf32, #tpu.memory_space<vmem>>, vector<16xf32>,
          %mul3A_328 = arith.mulf %get3A_25, %get3A_327 : vector<16xf32>
          %add3A_329 = arith.addf %add3A_323, %mul3A_328 : vector<16xf32>
          %get3A_330 = arith.index_cast %rem3A_73 : i32 to index
          %get3A_331 = arith.index_cast %add3A_252 : i32 to index
          %get3A_332 = arith.constant 80 : index
          %get3A_333 = tpu.vector_load %arg10[%get3A_330, %get3A_331, %get3A_332] {strides = array<i32>} : memref<2x128x128xf32, #tpu.memory_space<vmem>>, vector<16xf32>,
          %mul3A_334 = arith.mulf %get3A_27, %get3A_333 : vector<16xf32>
          %add3A_335 = arith.addf %add3A_329, %mul3A_334 : vector<16xf32>
          %get3A_336 = arith.index_cast %rem3A_73 : i32 to index
          %get3A_337 = arith.index_cast %add3A_252 : i32 to index
          %get3A_338 = arith.constant 96 : index
          %get3A_339 = tpu.vector_load %arg10[%get3A_336, %get3A_337, %get3A_338] {strides = array<i32>} : memref<2x128x128xf32, #tpu.memory_space<vmem>>, vector<16xf32>,
          %mul3A_340 = arith.mulf %get3A_29, %get3A_339 : vector<16xf32>
          %add3A_341 = arith.addf %add3A_335, %mul3A_340 : vector<16xf32>
          %get3A_342 = arith.index_cast %rem3A_73 : i32 to index
          %get3A_343 = arith.index_cast %add3A_252 : i32 to index
          %get3A_344 = arith.constant 112 : index
          %get3A_345 = tpu.vector_load %arg10[%get3A_342, %get3A_343, %get3A_344] {strides = array<i32>} : memref<2x128x128xf32, #tpu.memory_space<vmem>>, vector<16xf32>,
          %mul3A_346 = arith.mulf %get3A_31, %get3A_345 : vector<16xf32>
          %add3A_347 = arith.addf %add3A_341, %mul3A_346 : vector<16xf32>
          %mul3A_348 = arith.constant 2 : i32
          %mul3A_349 = arith.muli %scan3A_139, %mul3A_348 : i32
          %add3A_350 = arith.constant 1 : i32
          %add3A_351 = arith.addi %mul3A_349, %add3A_350 : i32
          %eq3A_352 = vector.broadcast %add3A_351 : i32 to vector<16xi32>
          %eq3A_353 = arith.cmpi eq, %iota3A, %eq3A_352 : vector<16xi32>
          %reduce_sum3A_354 = arith.constant true
          %reduce_sum3A_355 = vector.broadcast %reduce_sum3A_354 : i1 to vector<16xi1>
          %reduce_sum3A_356 = tpu.scan <sum>, %add3A_347 masked %reduce_sum3A_355 : vector<16xf32>, vector<16xi1> -> vector<16xf32>
          %reduce_sum3A_357 = vector.extract %reduce_sum3A_356[15] : f32 from vector<16xf32>
          %add3A_358 = vector.broadcast %reduce_sum3A_357 : f32 to vector<16xf32>
          %add3A_359 = arith.addf %select_n3A, %add3A_358 : vector<16xf32>
          %select_n3A_360 = arith.select %eq3A_353, %add3A_359, %select_n3A : vector<16xi1>, vector<16xf32>
          scf.yield %select_n3A_360 : vector<16xf32>
        }
        %scan3A_126 = arith.constant 8 : i32
        %neg3A = arith.constant 0.000000e+00 : f32
        %neg3A_127 = vector.broadcast %neg3A : f32 to vector<16xf32>
        %neg3A_128 = arith.subf %neg3A_127, %scan3A_125 : vector<16xf32>
        %exp3A = math.exp %neg3A_128 : vector<16xf32>
        %add3A_129 = arith.constant 1.000000e+00 : f32
        %add3A_130 = vector.broadcast %add3A_129 : f32 to vector<16xf32>
        %add3A_131 = arith.addf %add3A_130, %exp3A : vector<16xf32>
        %div3A = arith.constant 1.000000e+00 : f32
        %div3A_132 = vector.broadcast %div3A : f32 to vector<16xf32>
        %div3A_133 = arith.divf %div3A_132, %add3A_131 : vector<16xf32>
        %mul3A_134 = arith.constant 128 : i32
        %mul3A_135 = arith.muli %scan3A_71, %mul3A_134 : i32
        %add3A_136 = arith.addi %mul3A_135, %mul3A_120 : i32
        %swap3A = arith.index_cast %add3A_136 : i32 to index
        %swap3A_137 = tpu.vector_load %arg12[%swap3A] {strides = array<i32>} : memref<512xf32, #tpu.memory_space<vmem>>, vector<16xf32>,
        tpu.vector_store %arg12[%swap3A], %div3A_133 {strides = array<i32>} : memref<512xf32, #tpu.memory_space<vmem>>, vector<16xf32>,
        %scan3A_138 = arith.constant 0 : i32
        scf.yield %scan3A_138 : i32
      }
      %scan3A_115 = arith.constant 8 : i32
      %scan3A_116 = arith.constant 0 : i32
      scf.yield %scan3A_116 : i32
    }
    %scan3A_68 = arith.constant 4 : i32
    %mul3A_69 = arith.constant 512 : i32
    %mul3A_70 = arith.muli %add3A, %mul3A_69 : i32
    "tpu.region"() ({
      %run_scoped3A = tpu.sem_alloc : memref<!tpu.dma_semaphore, #tpu.memory_space<semaphore_mem>>
      %dma_start3A_71 = tpu.memref_slice %arg6[%mul3A_70] : memref<16384xf32, #tpu.memory_space<hbm>> -> memref<512xf32, #tpu.memory_space<hbm>>
      %dma_start3A_72 = tpu.memref_slice %arg6[%mul3A_70] : memref<16384xf32, #tpu.memory_space<hbm>> -> memref<512xf32, #tpu.memory_space<hbm>>
      tpu.enqueue_dma source(%arg12 : memref<512xf32, #tpu.memory_space<vmem>>) target(%dma_start3A_72 : memref<512xf32, #tpu.memory_space<hbm>>) target_semaphore(%run_scoped3A : memref<!tpu.dma_semaphore, #tpu.memory_space<semaphore_mem>>)
      %dma_wait3A = tpu.memref_slice %arg6[%mul3A_70] : memref<16384xf32, #tpu.memory_space<hbm>> -> memref<512xf32, #tpu.memory_space<hbm>>
      %dma_wait3A_73 = tpu.memref_slice %arg6[%mul3A_70] : memref<16384xf32, #tpu.memory_space<hbm>> -> memref<512xf32, #tpu.memory_space<hbm>>
      tpu.wait_dma2 semaphore(%run_scoped3A : memref<!tpu.dma_semaphore, #tpu.memory_space<semaphore_mem>>) src(%arg12 : memref<512xf32, #tpu.memory_space<vmem>>) dst(%dma_wait3A_73 : memref<512xf32, #tpu.memory_space<hbm>>)
      tpu.yield
    }) : () -> ()
    return
  }
}

</mosaic_0001>

<sc_bundles>
// kernel: _run.3.cloned.1.call-start
scs
__scs_entry_jumppad:
0x0: {  	(pc) =	sbr.rel $0x88, $3  }
0x1: {  	(tag) =	ssettag $0x0;
	lr =	simm.s32 $0x1  }
0x2: {  	[smem:$0x3F9D] =	sst lr;
	_ =	strace $0xD0000000  }
0x3: {  	_ = 	snop  }
0x4: {  	_ = 	snop  }
0x5: {  	_ = 	snop  }
0x6: {  	_ = 	snop  }
0x7: {  	_ = 	snop  }
__scs_overlays_trampoline_lowered:
0x8: {  	[smem:$0x3FAC] =	sst s0  }
0x9: {  	[smem:$0x3FAD] =	sst s1  }
0xa: {  	[smem:$0x3FAE] =	sst s2  }
0xb: {  	[smem:$0x3FAF] =	sst s3  }
0xc: {  	[smem:$0x3FB0] =	sst s4  }
0xd: {  	[smem:$0x3FB1] =	sst s5  }
0xe: {  	[smem:$0x3FB2] =	sst s6  }
0xf: {  	[smem:$0x3FB3] =	sst s7  }
0x10: {  	[smem:$0x3FB4] =	sst s8  }
0x11: {  	[smem:$0x3FB5] =	sst s9;
	s0 =	simm.s32 @!p0 $0x0  }
0x12: {  	s1 =	sld [smem:$0x3F9B];
	s0 =	simm.s32 @p0 $0x1  }
0x13: {  	[smem:$0x3FB6] =	sst s0;
	s0 =	simm.s32 @!p1 $0x0  }
0x14: {  	s2 =	sld [smem:$0x3F9A];
	s0 =	simm.s32 @p1 $0x1  }
0x15: {  	[smem:$0x3FB7] =	sst s0;
	s0 =	simm.s32 @!p2 $0x0  }
0x16: {  	s3 =	sld [smem:$0x3FDB];
	s0 =	simm.s32 @p2 $0x1  }
0x17: {  	s4 =	simm.s32 $0x1BF5;
	[smem:$0x3FB9] =	sst s0  }
0x18: {  	s0 =	sld [smem:$0x3F9C];
	_ =	swait.ge [sflag:s4], $0x0  }
0x19: {  	s7 =	sld [smem:$0x3F9D]  }
0x1a: {  	s8 =	sadd.s32 $0xFFFFE003, lr  }
0x1b: {  	s9 =	sadd.s32 $0xFFFFFEF7, lr;
	s5 =	simm.s32 $0xFFFFFFFF;
	p2 =	slt.u32 s8, $0xFFFFF086  }
0x1c: {  	p1 =	slt.u32 s9, $0xF7A;
	s5 =	simm.s32 @!p2 $0x0  }
0x1d: {  	s5 =	simm.s32 @p1 $0x1;
	p0 =	seq.s32 s7, s2  }
0x1e: {  	s7 =	smul.u32 @!p0 $0xF7A, s2;
	p2 =	seq.s32 @!p0 s5, $0x0  }
0x1f: {  	s9 =	smul.u32 $0xF7A, s1;
	s8 =	simm.s32 @!p0 $0x1BF5;
	p2 =	por !p2, p0  }
0x20: {  	[sflag:s8] =	ssyncset.s32 @!p0 $0xFFFFF086;
	s6 =	sadd.s32 @!p0 s3, s7;
	s7 =	simm.s32 @!p0 $0x108  }
0x21: {  	s3 =	sadd.s32 s3, s9;
	s6 =	sadd.s32 @!p0 $0x88, s6;
	s7 =	simm.s32 @p2 $0x1082  }
0x22: {  	[simem:s7], [sflag:s8] =	dma.local @!p0 [hbm:s6], $0xF7A  }
0x23: {  	s9 =	sor.u32 $0xD0000000, s2;
	s6 =	simm.s32 $0x108;
	_ =	swait.ge @!p0 [sflag:s8], $0x0  }
0x24: {  	s3 =	sadd.s32 $0x88, s3;
	s6 =	simm.s32 @!p1 $0x1082;
	[sflag:s4] =	ssyncset.s32 $0xFFFFF086  }
0x25: {  	[simem:s6], [sflag:s4] =	dma.local [hbm:s3], $0xF7A  }
0x26: {  	[smem:$0x3F9D] =	sst s1;
	(tag) =	ssettag s2;
	_ =	strace s9  }
0x27: {  	s1 =	sld [smem:$0x3FAD]  }
0x28: {  	s2 =	sld [smem:$0x3FAE]  }
0x29: {  	s4 =	sld [smem:$0x3FB0]  }
0x2a: {  	p0 =	seq.s32 s5, $0x0;
	s5 =	sld [smem:$0x3FB1]  }
0x2b: {  	s6 =	sld [smem:$0x3FB2]  }
0x2c: {  	s7 =	sld [smem:$0x3FB3]  }
0x2d: {  	s3 =	simm.s32 $0x108;
	s8 =	sld [smem:$0x3FB4]  }
0x2e: {  	s3 =	simm.s32 @!p0 $0x1082;
	s9 =	sld [smem:$0x3FB5]  }
0x2f: {  	lr =	sadd.s32 s0, s3;
	s0 =	sld [smem:$0x3FAC]  }
0x30: {  	s3 =	sld [smem:$0x3FAF]  }
0x31: {  	[smem:$0x3FB8] =	sst s10  }
0x32: {  	s10 =	sld [smem:$0x3FB6];
	_ =	sdelay $0x3  }
0x33: {  	p0 =	seq.s32 s10, $0x1;
	s10 =	sld [smem:$0x3FB8];
	_ =	sdelay $0x3  }
0x34: {  	[smem:$0x3FB8] =	sst s10  }
0x35: {  	s10 =	sld [smem:$0x3FB7];
	_ =	sdelay $0x3  }
0x36: {  	p1 =	seq.s32 s10, $0x1;
	s10 =	sld [smem:$0x3FB8];
	_ =	sdelay $0x3  }
0x37: {  	[smem:$0x3FB8] =	sst s10  }
0x38: {  	s10 =	sld [smem:$0x3FB9]  }
0x39: {  	_ = 	snop;
	(pc) =	sbr.ind lr, $3  }
0x3a: {  	_ = 	snop  }
0x3b: {  	_ = 	snop  }
0x3c: {  	p2 =	seq.s32 s10, $0x1;
	s10 =	sld [smem:$0x3FB8]  }
0x3d: {  	_ =	shalt  }
0x3e: {  	_ =	shalt  }
0x3f: {  	_ =	shalt  }
0x40: {  	_ =	shalt  }
0x41: {  	_ =	shalt  }
0x42: {  	_ =	shalt  }
0x43: {  	_ =	shalt  }
0x44: {  	_ =	shalt  }
0x45: {  	_ =	shalt  }
0x46: {  	_ =	shalt  }
0x47: {  	_ =	shalt  }
0x48: {  	_ =	shalt  }
0x49: {  	_ =	shalt  }
0x4a: {  	_ =	shalt  }
0x4b: {  	_ =	shalt  }
0x4c: {  	_ =	shalt  }
0x4d: {  	_ =	shalt  }
0x4e: {  	_ =	shalt  }
0x4f: {  	_ =	shalt  }
0x50: {  	_ =	shalt  }
0x51: {  	_ =	shalt  }
0x52: {  	_ =	shalt  }
0x53: {  	_ =	shalt  }
0x54: {  	_ =	shalt  }
0x55: {  	_ =	shalt  }
0x56: {  	_ =	shalt  }
0x57: {  	_ =	shalt  }
0x58: {  	_ =	shalt  }
0x59: {  	_ =	shalt  }
0x5a: {  	_ =	shalt  }
0x5b: {  	_ =	shalt  }
0x5c: {  	_ =	shalt  }
0x5d: {  	_ =	shalt  }
0x5e: {  	_ =	shalt  }
0x5f: {  	_ =	shalt  }
0x60: {  	_ =	shalt  }
0x61: {  	_ =	shalt  }
0x62: {  	_ =	shalt  }
0x63: {  	_ =	shalt  }
0x64: {  	_ =	shalt  }
0x65: {  	_ =	shalt  }
0x66: {  	_ =	shalt  }
0x67: {  	_ =	shalt  }
0x68: {  	_ =	shalt  }
0x69: {  	_ =	shalt  }
0x6a: {  	_ =	shalt  }
0x6b: {  	_ =	shalt  }
0x6c: {  	_ =	shalt  }
0x6d: {  	_ =	shalt  }
0x6e: {  	_ =	shalt  }
0x6f: {  	_ =	shalt  }
0x70: {  	_ =	shalt  }
0x71: {  	_ =	shalt  }
0x72: {  	_ =	shalt  }
0x73: {  	_ =	shalt  }
0x74: {  	_ =	shalt  }
0x75: {  	_ =	shalt  }
0x76: {  	_ =	shalt  }
0x77: {  	_ =	shalt  }
0x78: {  	_ =	shalt  }
0x79: {  	_ =	shalt  }
0x7a: {  	_ =	shalt  }
0x7b: {  	_ =	shalt  }
0x7c: {  	_ =	shalt  }
0x7d: {  	_ =	shalt  }
0x7e: {  	_ =	shalt  }
0x7f: {  	_ =	shalt  }
0x80: {  	_ =	shalt  }
0x81: {  	_ =	shalt  }
0x82: {  	_ =	shalt  }
0x83: {  	_ =	shalt  }
0x84: {  	_ =	shalt  }
0x85: {  	_ =	shalt  }
0x86: {  	_ =	shalt  }
0x87: {  	_ =	shalt  }
.Lfunc_end0:
.L_simem_size_0:
called_computation_lowered:
.L_overlay_start_0:
0x88: {  	s2 =	sld [smem:$0x3FD9]  }
0x89: {  	s3 =	sld [smem:$0x3FFE];
	_ =	sdelay $0x1  }
0x8a: {  	s1 =	srdreg.scid  }
0x8b: {  	s0 =	sand.u32 $0x1, s1  }
0x8c: {  	s18 =	sshll.u32 s0, $0xA;
	s2 =	sadd.s32 s3, s2  }
0x8d: {  	s2 =	sadd.s32 s2, s18  }
0x8e: {  	[smem:$0x3FC4] =	sst s2  }
0x8f: {  	_ = 	snop  }
0x90: {  	s2 =	sld [smem:$0x3FC9]  }
0x91: {  	s19 =	sld [smem:$0x3FC8]  }
0x92: {  	s4 =	sld [smem:$0x3FC7]  }
0x93: {  	s5 =	sld [smem:$0x3FC6]  }
0x94: {  	s6 =	sld [smem:$0x3FD0];
	(tm) =	ssettm $0x1  }
0x95: {  	s7 =	sld [smem:$0x3FFB];
	_ =	sdelay $0x3  }
0x96: {  	_ =	strace s7  }
0x97: {  	s7 =	sld [smem:$0x3FFC];
	_ =	sdelay $0x3  }
0x98: {  	_ =	strace s7  }
0x99: {  	s7 =	sld [smem:$0x3FFD];
	_ =	sdelay $0x3  }
0x9a: {  	_ =	strace s7  }
0x9b: {  	_ =	strace $0x8FFFFFFF  }
0x9c: {  	s20 =	sld [smem:$0x3FDB];
	_ =	sdelay $0x1  }
0x9d: {  	s8 =	simm.s32 $_scs_section_size  }
0x9e: {  	s9 =	simm.s32 $_size__tile_overlayer_lowered;
	s10 =	simm.s32 $_tile_overlayer_lowered  }
0x9f: {  	s23 =	simm.s32 $0x1BFF;
	s22 =	sshll.u32 s10, $0x1;
	s7 =	sadd.s32 s8, s20  }
0xa0: {  	s11 =	simm.s32 $0x0;
	s21 =	sshll.u32 s9, $0x1;
	s9 =	sadd.s32 s22, s7  }
0xa1: {  	[timem:s11], [sflag:s23] =	dma.local [hbm:s9], s21  }
0xa2: {  	_ =	swait.ge [sflag:s23], s21  }
0xa3: {  	s8 =	ssub.s32 $0x0, s21;
	[sflag:s23] =	ssyncset.done $0x0  }
0xa4: {  	[sflag:s23] =	ssyncadd.s32 s8;
	_ =	sdelay $0x1  }
0xa5: {  	s24 =	simm.s32 $0x1B8B  }
0xa6: {  	_ =	swait.ge [sflag:s24], $0x1  }
0xa7: {  	[sflag:s24] =	ssyncset.done $0x0  }
0xa8: {  	s25 =	simm.s32 $0x1B8E;
	[sflag:s24] =	ssyncadd.s32 $0xFFFFFFFF  }
0xa9: {  	s26 =	simm.s32 $execute0_lowered;
	[smem:$0x3FD2] =	sst s25  }
0xaa: {  	s8 =	sshll.u32 s26, $0x1;
	_ =	strace $0x80000046;
	[dreg:$0x1] =	wrdreg $0xFFFFFFFF  }
0xab: {  	s28 =	simm.s32 $_size_execute0_lowered;
	s7 =	sadd.s32 s7, s8;
	[dreg:$0x0] =	wrdreg $0x0  }
0xac: {  	s8 =	sshll.u32 s28, $0x1;
	[dreg:$0x2] =	wrdreg s7  }
0xad: {  	[dreg:$0x3] =	wrdreg s8  }
0xae: {  	[dreg:$0x4] =	wrdreg $0xC0  }
0xaf: {  	_ =	task [dreg:s11], $0x5FFFF  }
0xb0: {  	[dreg:$0x1] =	wrdreg $0xFFFFFFFF  }
0xb1: {  	[dreg:$0x0] =	wrdreg $0x60  }
0xb2: {  	[dreg:$0x2] =	wrdreg s2  }
0xb3: {  	[dreg:$0x3] =	wrdreg s19  }
0xb4: {  	[dreg:$0x4] =	wrdreg s4  }
0xb5: {  	[dreg:$0x5] =	wrdreg s5  }
0xb6: {  	[dreg:$0x6] =	wrdreg s6  }
0xb7: {  	[dreg:$0x7] =	wrdreg $0x9  }
0xb8: {  	_ =	task.clear_ibuf [dreg:s11], $0x8FFFF;
	_ =	strace $0x90000046  }
0xb9: {  	s29 =	simm.s32 $0x9;
	_ =	strace $0x80000048  }
0xba: {  	_ =	swait.ge [sflag:s29], $0x1  }
0xbb: {  	[sflag:s29] =	ssyncadd.s32 $0xFFFFFFFF  }
0xbc: {  	_ =	strace $0x90000048  }
0xbd: {  	_ =	sfence  }
0xbe: {  	s30 =	sld [smem:$0x0];
	_ =	sdelay $0x2  }
0xbf: {  	s31 =	sshll.u32 s1, $0xD;
	s1 =	sshrl.u32 s1, $0x2  }
0xc0: {  	s3 =	sand.u32 $0x4000, s31;
	s1 =	sadd.s32 s1, s30  }
0xc1: {  	s0 =	sor.u32 s3, s0;
	s1 =	sshll.u32 s1, $0x11  }
0xc2: {  	s0 =	sor.u32 s1, s0  }
0xc3: {  	s0 =	sadd.s32 $0x8F2B, s0  }
0xc4: {  	[sflag:s0] =	ssyncadd.remote.s32 $0x1  }
0xc5: {  	_ =	sfence.sel $0xFFFF  }
0xc6: {  	[dreg:$0x0] =	wrdreg $0xFFFFFFFF;
	(pc) =	sbr.abs _section_cstart, $3  }
0xc7: {  	[dreg:$0x1] =	wrdreg $0xFFFFFFFF  }
0xc8: {  	_ =	task.clear_ibuf [dreg:s11], $0x2FFFF;
	_ =	strace $0x9FFFFFFF  }
0xc9: {  	(tm) =	ssettm $0x7FFFFFFF  }
tec
execute0_lowered:
.L_overlay_start_1:
0x0: {  	(tag) =	ssettag $0x1  }
0x1: {  	s1 =	rddreg [dreg:$0x0]  }
0x2: {  	s5 =	rddreg [dreg:$0x1]  }
0x3: {  	s6 =	rddreg [dreg:$0x2]  }
0x4: {  	s2 =	rddreg [dreg:$0x3]  }
0x5: {  	s7 =	rddreg [dreg:$0x4];
	s3 =	srdreg.scid  }
0x6: {  	s0 =	rddreg [dreg:$0x5];
	s4 =	simm.s32 $0x0;
	s12 =	simm.s32 $0x80  }
0x7: {  	s13 =	simm.s32 $0x400;
	s14 =	simm.s32 $0x8400;
	s15 =	simm.s32 $0x10580  }
0x8: {  	s16 =	simm.s32 $0x0;
	s8 =	sand.u32 $0x1, s3;
	s3 =	stileid.u32  }
0x9: {  	[smem:$0x7FF] =	sst s4;
	s9 =	ssub.s32 $0x2, s8;
	s11 =	sshll.u32 s3, $0x7  }
0xa: {  	s8 =	sshll.u32 s8, $0x6;
	_ =	strace $0x80000047;
	s10 =	sshrl.u32 s9, $0x1  }
0xb: {  	s8 =	sor.u32 s8, s11;
	s11 =	simm.s32 $0x10400;
	s9 =	ssub.s32 s9, s10  }
0xc: {  	s5 =	sadd.s32 s5, s8;
	s6 =	sadd.s32 s6, s8;
	s7 =	sadd.s32 s7, s8  }
0xd: {  	v0 =	vlaneseq.u32;
	s10 =	simm.s32 $0x200;
	s8 =	smax.u32 s9, $0x1;
	s9 =	simm.s32 $0x5  }
.LBB2_1:
0xe: {  	[tilespmem:s4], [sflag:$0x5] =	stream.linear.gather [hbm4b:s5+s4], $0x200, $0x38;
	[tilespmem:$0x10780] =	vst v63  }
0xf: {  	_ =	swait.ge [sflag:s9], $0x200  }
0x10: {  	[sflag:s9] =	ssyncset.done $0x0  }
0x11: {  	[sflag:s9] =	ssyncadd.s32 $0xFFFFFE00  }
0x12: {  	[tilespmem:s10], [sflag:$0x5] =	stream.linear.gather [hbm4b:s6+s4], $0x200, $0x38;
	[tilespmem:$0x10780] =	vst v63  }
0x13: {  	_ =	swait.ge [sflag:s9], $0x200  }
0x14: {  	[sflag:s9] =	ssyncset.done $0x0  }
0x15: {  	[sflag:s9] =	ssyncadd.s32 $0xFFFFFE00  }
0x16: {  	[tilespmem:s11], [sflag:$0x5] =	stream.linear.gather [hbm4b:s2+s4], $0x180, $0x38;
	[tilespmem:$0x10780] =	vst v63  }
0x17: {  	_ =	swait.ge [sflag:s9], $0x180  }
0x18: {  	[sflag:s9] =	ssyncset.done $0x0  }
0x19: {  	[sflag:s9] =	ssyncadd.s32 $0xFFFFFE80  }
0x1a: {  	v1 =	vld [tilespmem:$0x10400]  }
0x1b: {  	v2 =	vld [tilespmem:$0x10410]  }
0x1c: {  	v3 =	vld [tilespmem:$0x10420]  }
0x1d: {  	v4 =	vld [tilespmem:$0x10430]  }
0x1e: {  	v5 =	vld [tilespmem:$0x10440]  }
0x1f: {  	v6 =	vld [tilespmem:$0x10450]  }
0x20: {  	v7 =	vld [tilespmem:$0x10460]  }
0x21: {  	v8 =	vld [tilespmem:$0x10470]  }
0x22: {  	v9 =	vld [tilespmem:$0x10480]  }
0x23: {  	v10 =	vld [tilespmem:$0x10490]  }
0x24: {  	v11 =	vld [tilespmem:$0x104A0]  }
0x25: {  	v12 =	vld [tilespmem:$0x104B0]  }
0x26: {  	v13 =	vld [tilespmem:$0x104C0]  }
0x27: {  	v14 =	vld [tilespmem:$0x104D0]  }
0x28: {  	v16 =	vld [tilespmem:$0x104F0]  }
0x29: {  	v15 =	vld [tilespmem:$0x104E0]  }
0x2a: {  	v17 =	vld [tilespmem:$0x10500];
	[tilespmem:s13], [sflag:$0x1] =	stream.indirect.gather [hbm4b:s1+s12], $0x80, s4, s12, $0xb8  }
0x2b: {  	p0 =	por $0x0, $0x0;
	s17 =	simm.s32 $0x0  }
0x2c: {  	[tilespmem:s14], [sflag:$0x3] =	stream.indirect.gather [hbm4b:s1+s12], $0x80, s10, s12, $0xb8;
	[tilespmem:$0x10780] =	vst v63  }
.LBB2_3:
0x2d: {  	s18 =	smov.u32 s17  }
0x2e: {  	s17 =	sadd.s32 $0x1, s17;
	p1 =	seq.s32 s18, $0x3  }
0x2f: {  	s21 =	sand.u32 $0x1, s18;
	s19 =	sand.u32 @!p1 $0x1, s17  }
0x30: {  	s23 =	sshll.u32 @!p1 s17, $0x7;
	s25 =	simm.s32 @!p1 $0x80;
	s20 =	sshll.u32 @!p1 s19, $0xE  }
0x31: {  	s28 =	sadd.s32 $0x1, s21;
	s24 =	sadd.s32 @!p1 $0x1, s19;
	s22 =	sor.u32 @!p1 $0x400, s20  }
0x32: {  	[tilespmem:s22], [sflag:s24] =	stream.indirect.gather @!p1 [hbm4b:s1+s25], $0x80, s23, s25, $0xb8;
	[tilespmem:$0x10780] =	vst v63  }
0x33: {  	s19 =	sadd.s32 @!p1 $0x3, s19;
	s20 =	sor.u32 @!p1 $0x8400, s20;
	s22 =	sadd.s32 @!p1 $0x200, s23  }
0x34: {  	[tilespmem:s20], [sflag:s19] =	stream.indirect.gather @!p1 [hbm4b:s1+s25], $0x80, s22, s25, $0xb8;
	[tilespmem:$0x10780] =	vst v63  }
0x35: {  	_ =	swait.ge [sflag:s28], $0x4000  }
0x36: {  	s18 =	sshll.u32 s18, $0x7;
	s21 =	sadd.s32 $0x3, s21;
	[sflag:s28] =	ssyncset.done $0x0  }
0x37: {  	s30 =	sand.u32 $0x3FFFFF80, s18;
	s20 =	simm.s32 $0x1;
	[sflag:s28] =	ssyncadd.s32 $0xFFFFC000  }
0x38: {  	s31 =	sadd.s32 $0x10580, s30;
	s20 =	simm.s32 @!p0 $0x0;
	_ =	swait.ge [sflag:s21], $0x4000  }
0x39: {  	s29 =	sshll.u32 s20, $0xE;
	s20 =	simm.s32 $0x0;
	[sflag:s21] =	ssyncset.done $0x0  }
0x3a: {  	v18 =	vmov s31;
	s18 =	sor.u32 $0x480, s29;
	s19 =	sor.u32 $0x8480, s29;
	[sflag:s21] =	ssyncadd.s32 $0xFFFFC000  }
.LBB2_4:
0x3b: {  	v19 =	vld [tilespmem:s18+$0xFFFFFF80]  }
0x3c: {  	v20 =	vld [tilespmem:s18+$0xFFFFFF90]  }
0x3d: {  	v21 =	vld [tilespmem:s18+$0x0]  }
0x3e: {  	v22 =	vld [tilespmem:s18+$0xFFFFFFA0]  }
0x3f: {  	v23 =	vld [tilespmem:s18+$0x10]  }
0x40: {  	v24 =	vld [tilespmem:s18+$0xFFFFFFB0]  }
0x41: {  	v25 =	vld [tilespmem:s18+$0x20];
	v19 =	vmul.f32 v19, v1;
	v20 =	vmul.f32 v20, v2  }
0x42: {  	v26 =	vld [tilespmem:s18+$0xFFFFFFC0]  }
0x43: {  	v19 =	vadd.f32 v20, v19;
	v20 =	vmul.f32 v22, v3;
	v22 =	vld [tilespmem:s18+$0x30]  }
0x44: {  	v27 =	vld [tilespmem:s18+$0xFFFFFFD0];
	v21 =	vmul.f32 v21, v1;
	v23 =	vmul.f32 v23, v2  }
0x45: {  	v19 =	vadd.f32 v20, v19;
	v20 =	vmul.f32 v24, v4;
	v24 =	vld [tilespmem:s18+$0x40]  }
0x46: {  	v28 =	vld [tilespmem:s18+$0xFFFFFFE0];
	v21 =	vadd.f32 v23, v21;
	v23 =	vmul.f32 v25, v3  }
0x47: {  	v25 =	vld [tilespmem:s18+$0x50];
	v19 =	vadd.f32 v20, v19;
	v20 =	vmul.f32 v26, v5  }
0x48: {  	v21 =	vadd.f32 v23, v21;
	v26 =	vld [tilespmem:s18+$0xFFFFFFF0];
	v22 =	vmul.f32 v22, v4  }
0x49: {  	v23 =	vld [tilespmem:s18+$0x60];
	v19 =	vadd.f32 v20, v19;
	v20 =	vmul.f32 v27, v6  }
0x4a: {  	v27 =	vld [tilespmem:s19+$0xFFFFFF80];
	v21 =	vadd.f32 v22, v21;
	v22 =	vmul.f32 v24, v5  }
0x4b: {  	v24 =	vld [tilespmem:s18+$0x70];
	v19 =	vadd.f32 v20, v19;
	v20 =	vmul.f32 v28, v7  }
0x4c: {  	v28 =	vld [tilespmem:s19+$0xFFFFFF90];
	v21 =	vadd.f32 v22, v21;
	v22 =	vmul.f32 v25, v6  }
0x4d: {  	v25 =	vld [tilespmem:s19+$0x0];
	v19 =	vadd.f32 v20, v19;
	v20 =	vmul.f32 v26, v8  }
0x4e: {  	v26 =	vld [tilespmem:s19+$0xFFFFFFA0];
	v21 =	vadd.f32 v22, v21;
	v22 =	vmul.f32 v23, v7  }
0x4f: {  	v23 =	vld [tilespmem:s19+$0x10];
	v19 =	vadd.f32 v20, v19;
	v20 =	vmul.f32 v27, v9  }
0x50: {  	v27 =	vld [tilespmem:s19+$0xFFFFFFB0];
	v21 =	vadd.f32 v22, v21;
	v22 =	vmul.f32 v24, v8  }
0x51: {  	v24 =	vld [tilespmem:s19+$0x20];
	v19 =	vadd.f32 v20, v19;
	v20 =	vmul.f32 v28, v10  }
0x52: {  	v28 =	vld [tilespmem:s19+$0xFFFFFFC0];
	v21 =	vadd.f32 v22, v21;
	v22 =	vmul.f32 v25, v9  }
0x53: {  	v19 =	vadd.f32 v20, v19;
	v20 =	vmul.f32 v26, v11  }
0x54: {  	v25 =	vld [tilespmem:s19+$0x30];
	v21 =	vadd.f32 v22, v21  }
0x55: {  	v26 =	vld [tilespmem:s19+$0xFFFFFFD0];
	v22 =	vmul.f32 v23, v10;
	v19 =	vadd.f32 v20, v19;
	v20 =	vmul.f32 v27, v12  }
0x56: {  	v23 =	vld [tilespmem:s19+$0x40];
	v24 =	vmul.f32 v24, v11  }
0x57: {  	v29 =	vld [tilespmem:s19+$0xFFFFFFE0];
	v22 =	vadd.f32 v22, v21;
	v19 =	vadd.f32 v20, v19;
	v20 =	vmul.f32 v28, v13  }
0x58: {  	v30 =	vld [tilespmem:s19+$0x50]  }
0x59: {  	v21 =	vld [tilespmem:s19+$0xFFFFFFF0];
	v25 =	vmul.f32 v25, v12;
	v24 =	vadd.f32 v24, v22;
	v19 =	vadd.f32 v20, v19  }
0x5a: {  	s24 =	sadd.s32 $0x100, s18;
	v26 =	vmul.f32 v26, v14;
	v22 =	vld [tilespmem:s19+$0x60]  }
0x5b: {  	v27 =	vld [tilespmem:s24+$0xFFFFFF80];
	v31 =	vmul.f32 v23, v13;
	v24 =	vadd.f32 v25, v24  }
0x5c: {  	s21 =	sshll.u32 s20, $0x4;
	s22 =	simm.s32 $0x2;
	v20 =	vld [tilespmem:s19+$0x70];
	v25 =	vmul.f32 v29, v15;
	v23 =	vadd.f32 v26, v19  }
0x5d: {  	s26 =	simm.s32 $0x4;
	s25 =	smov.u32 s19;
	s23 =	simm.s32 $0x0;
	v28 =	vld [tilespmem:s24+$0xFFFFFF90];
	v26 =	vmul.f32 v30, v14;
	v24 =	vadd.f32 v31, v24;
	v19 =	vmov v17  }
.LBB2_5:
0x5e: {  	p1 =	sne.s32 s26, $0xE;
	v29 =	vld [tilespmem:s24+$0x0];
	v23 =	vadd.f32 v25, v23;
	v21 =	vmul.f32 v21, v16  }
0x5f: {  	v25 =	vld [tilespmem:s24+$0xFFFFFFA0];
	v24 =	vadd.f32 v26, v24;
	v22 =	vmul.f32 v22, v15  }
0x60: {  	v26 =	vld [tilespmem:s24+$0x10];
	v21 =	vadd.f32 v21, v23  }
0x61: {  	v20 =	vmul.f32 v20, v16;
	v23 =	vld [tilespmem:s24+$0xFFFFFFB0];
	v22 =	vadd.f32 v22, v24  }
0x62: {  	v24 =	vmul.f32 v27, v1;
	v27 =	vmul.f32 v28, v2;
	v28 =	vld [tilespmem:s24+$0x20];
	(xrf2) =	vadd.scan.msk.f32 $0xffff, v21  }
0x63: {  	v21 =	vld [tilespmem:s24+$0xFFFFFFC0];
	v20 =	vadd.f32 v20, v22  }
0x64: {  	v22 =	vadd.f32 v27, v24;
	v24 =	vmul.f32 v25, v3;
	v25 =	vld [tilespmem:s24+$0x30]  }
0x65: {  	v29 =	vmul.f32 v29, v1;
	v27 =	vld [tilespmem:s24+$0xFFFFFFD0];
	v26 =	vmul.f32 v26, v2;
	(xrf2) =	vadd.scan.msk.f32 $0xffff, v20  }
0x66: {  	v20 =	vadd.f32 v24, v22;
	v22 =	vmul.f32 v23, v4;
	v23 =	vld [tilespmem:s24+$0x40]  }
0x67: {  	v24 =	vld [tilespmem:s24+$0xFFFFFFE0];
	v26 =	vadd.f32 v26, v29;
	v28 =	vmul.f32 v28, v3  }
0x68: {  	v20 =	vadd.f32 v22, v20;
	v21 =	vmul.f32 v21, v5;
	v22 =	vld [tilespmem:s24+$0x50]  }
0x69: {  	v29 =	vld [tilespmem:s24+$0xFFFFFFF0];
	v26 =	vadd.f32 v28, v26;
	v25 =	vmul.f32 v25, v4  }
0x6a: {  	s25 =	sadd.s32 $0x100, s25;
	v20 =	vadd.f32 v21, v20;
	v21 =	vmul.f32 v27, v6;
	v27 =	vld [tilespmem:s24+$0x60]  }
0x6b: {  	s28 =	sadd.s32 $0x1, s23;
	v28 =	vld [tilespmem:s25+$0xFFFFFF80];
	v25 =	vadd.f32 v25, v26;
	v23 =	vmul.f32 v23, v5;
	v26 =	vmov s23;
	s23 =	smov.u32 s22;
	s22 =	smov.u32 s26  }
0x6c: {  	v30 =	vmov s28;
	v20 =	vadd.f32 v21, v20;
	v21 =	vmul.f32 v24, v7;
	v24 =	vld [tilespmem:s24+$0x70];
	v31, _, _ =	vpop (xrf2)  }
0x6d: {  	v32 =	vld [tilespmem:s25+$0xFFFFFF90];
	v23 =	vadd.f32 v23, v25;
	v22 =	vmul.f32 v22, v6;
	v25 =	vbroadcast v31, $0xF  }
0x6e: {  	vm0 =	veq.s32 v26, v0;
	v20 =	vadd.f32 v21, v20;
	v21 =	vmul.f32 v29, v8;
	v29 =	vld [tilespmem:s25+$0x0]  }
0x6f: {  	v26 =	vld [tilespmem:s25+$0xFFFFFFA0];
	v22 =	vadd.f32 v22, v23;
	v23 =	vmul.f32 v27, v7;
	v25 =	vadd.f32 v25, v19;
	v27, _, _ =	vpop (xrf2)  }
0x70: {  	v20 =	vadd.f32 v21, v20;
	v21 =	vmul.f32 v28, v9;
	v28 =	vld [tilespmem:s25+$0x10];
	v27 =	vbroadcast v27, $0xF  }
0x71: {  	v31 =	vld [tilespmem:s25+$0xFFFFFFB0];
	v22 =	vadd.f32 v23, v22;
	v23 =	vmul.f32 v24, v8;
	v19 =	vsel vm0, v25, v19  }
0x72: {  	v20 =	vadd.f32 v21, v20;
	v21 =	vmul.f32 v32, v10;
	v24 =	vld [tilespmem:s25+$0x20];
	v25 =	vadd.f32 v27, v19  }
0x73: {  	vm0 =	veq.s32 v30, v0;
	v27 =	vld [tilespmem:s25+$0xFFFFFFC0];
	v22 =	vadd.f32 v23, v22;
	v23 =	vmul.f32 v29, v9  }
0x74: {  	v20 =	vadd.f32 v21, v20;
	v21 =	vmul.f32 v26, v11;
	v26 =	vld [tilespmem:s25+$0x30];
	v19 =	vsel vm0, v25, v19  }
0x75: {  	v25 =	vld [tilespmem:s25+$0xFFFFFFD0];
	v22 =	vadd.f32 v23, v22;
	v23 =	vmul.f32 v28, v10  }
0x76: {  	v20 =	vadd.f32 v21, v20;
	v21 =	vmul.f32 v31, v12;
	v28 =	vld [tilespmem:s25+$0x40]  }
0x77: {  	v29 =	vld [tilespmem:s25+$0xFFFFFFE0];
	v22 =	vadd.f32 v23, v22;
	v23 =	vmul.f32 v24, v11  }
0x78: {  	v20 =	vadd.f32 v21, v20;
	v24 =	vmul.f32 v27, v13;
	v30 =	vld [tilespmem:s25+$0x50]  }
.Ltmp0:
0x79: {  	v21 =	vld [tilespmem:s25+$0xFFFFFFF0];
	v23 =	vadd.f32 v23, v22;
	v26 =	vmul.f32 v26, v12;
	(pc) =	sbr.rel @p1 .LBB2_5-.Ltmp0, $4  }
0x7a: {  	v24 =	vadd.f32 v24, v20;
	v25 =	vmul.f32 v25, v14;
	v22 =	vld [tilespmem:s25+$0x60]  }
0x7b: {  	s24 =	sadd.s32 $0x100, s24;
	v26 =	vadd.f32 v26, v23;
	v31 =	vmul.f32 v28, v13;
	v20 =	vld [tilespmem:s25+$0x70]  }
0x7c: {  	v27 =	vld [tilespmem:s24+$0xFFFFFF80];
	v23 =	vadd.f32 v25, v24;
	v25 =	vmul.f32 v29, v15  }
0x7d: {  	s26 =	sadd.s32 $0x2, s26;
	v28 =	vld [tilespmem:s24+$0xFFFFFF90];
	v24 =	vadd.f32 v31, v26;
	v26 =	vmul.f32 v30, v14  }
0x7e: {  	v29 =	vld [tilespmem:s24+$0x0]  }
0x7f: {  	v30 =	vld [tilespmem:s24+$0xFFFFFFA0]  }
0x80: {  	v31 =	vld [tilespmem:s24+$0x10]  }
0x81: {  	v32 =	vld [tilespmem:s24+$0xFFFFFFB0]  }
0x82: {  	v33 =	vld [tilespmem:s24+$0x20]  }
0x83: {  	v34 =	vld [tilespmem:s24+$0xFFFFFFC0];
	v27 =	vmul.f32 v27, v1;
	v28 =	vmul.f32 v28, v2  }
0x84: {  	v42 =	vld [tilespmem:s24+$0x30];
	v41 =	vmul.f32 v30, v3  }
0x85: {  	v35 =	vld [tilespmem:s24+$0xFFFFFFD0];
	v29 =	vmul.f32 v29, v1;
	v31 =	vmul.f32 v31, v2;
	v27 =	vadd.f32 v28, v27  }
0x86: {  	v44 =	vld [tilespmem:s24+$0x40];
	v43 =	vmul.f32 v32, v4  }
0x87: {  	v45 =	vld [tilespmem:s24+$0xFFFFFFE0];
	v33 =	vmul.f32 v33, v3;
	v29 =	vadd.f32 v31, v29;
	v27 =	vadd.f32 v41, v27  }
0x88: {  	v47 =	vld [tilespmem:s24+$0x50];
	v46 =	vmul.f32 v34, v5  }
0x89: {  	v48 =	vld [tilespmem:s24+$0xFFFFFFF0];
	v30 =	vmul.f32 v42, v4;
	v29 =	vadd.f32 v33, v29;
	v27 =	vadd.f32 v43, v27  }
0x8a: {  	v50 =	vld [tilespmem:s24+$0x60];
	s25 =	sadd.s32 $0x100, s25;
	v49 =	vmul.f32 v35, v6  }
0x8b: {  	v51 =	vld [tilespmem:s25+$0xFFFFFF80];
	v32 =	vmul.f32 v44, v5;
	v29 =	vadd.f32 v30, v29;
	v27 =	vadd.f32 v46, v27  }
0x8c: {  	v53 =	vld [tilespmem:s24+$0x70];
	v52 =	vmul.f32 v45, v7  }
0x8d: {  	v54 =	vld [tilespmem:s25+$0xFFFFFF90];
	v34 =	vmul.f32 v47, v6;
	v29 =	vadd.f32 v32, v29;
	v27 =	vadd.f32 v49, v27  }
0x8e: {  	v56 =	vld [tilespmem:s25+$0x0];
	v55 =	vmul.f32 v48, v8  }
0x8f: {  	v57 =	vld [tilespmem:s25+$0xFFFFFFA0];
	v35 =	vmul.f32 v50, v7;
	v29 =	vadd.f32 v34, v29;
	v27 =	vadd.f32 v52, v27  }
0x90: {  	v59 =	vld [tilespmem:s25+$0x10];
	v58 =	vmul.f32 v51, v9  }
0x91: {  	v60 =	vld [tilespmem:s25+$0xFFFFFFB0];
	v31 =	vmul.f32 v53, v8;
	v29 =	vadd.f32 v35, v29;
	v27 =	vadd.f32 v55, v27  }
0x92: {  	v62 =	vld [tilespmem:s25+$0x20];
	v61 =	vmul.f32 v54, v10  }
0x93: {  	v63 =	vld [tilespmem:s25+$0xFFFFFFC0];
	v33 =	vmul.f32 v56, v9;
	v29 =	vadd.f32 v31, v29;
	v27 =	vadd.f32 v58, v27  }
0x94: {  	v23 =	vadd.f32 v25, v23;
	v37 =	vld [tilespmem:s25+$0x30];
	v36 =	vmul.f32 v57, v11  }
0x95: {  	v39 =	vld [tilespmem:s25+$0xFFFFFFD0];
	v30 =	vmul.f32 v59, v10;
	v38 =	vadd.f32 v33, v29;
	v27 =	vadd.f32 v61, v27  }
0x96: {  	v21 =	vmul.f32 v21, v16;
	v24 =	vadd.f32 v26, v24;
	v42 =	vld [tilespmem:s25+$0x40];
	v41 =	vmul.f32 v60, v12  }
0x97: {  	v43 =	vld [tilespmem:s25+$0xFFFFFFE0];
	v32 =	vmul.f32 v62, v11;
	v25 =	vadd.f32 v30, v38;
	v40 =	vadd.f32 v36, v27  }
0x98: {  	v22 =	vmul.f32 v22, v15;
	v21 =	vadd.f32 v21, v23;
	v45 =	vld [tilespmem:s25+$0x50];
	v44 =	vmul.f32 v63, v13  }
0x99: {  	v48 =	vmul.f32 v37, v12;
	v51 =	vld [tilespmem:s25+$0x60];
	v46 =	vadd.f32 v32, v25;
	v26 =	vadd.f32 v41, v40  }
0x9a: {  	v20 =	vmul.f32 v20, v16;
	v22 =	vadd.f32 v22, v24;
	v47 =	vld [tilespmem:s25+$0xFFFFFFF0];
	v50 =	vmul.f32 v39, v14  }
0x9b: {  	v28 =	vmul.f32 v42, v13;
	v23 =	vadd.f32 v48, v46;
	v49 =	vadd.f32 v44, v26  }
0x9c: {  	v20 =	vadd.f32 v20, v22;
	v53 =	vmul.f32 v43, v15;
	v52 =	vld [tilespmem:s25+$0x70]  }
0x9d: {  	(xrf2) =	vadd.scan.msk.f32 $0xffff, v21;
	v55 =	vmul.f32 v45, v14;
	v54 =	vadd.f32 v28, v23;
	v24 =	vadd.f32 v50, v49  }
0x9e: {  	v56 =	vmul.f32 v51, v15  }
0x9f: {  	(xrf2) =	vadd.scan.msk.f32 $0xffff, v20;
	v25 =	vmul.f32 v47, v16;
	v20 =	vadd.f32 v55, v54;
	v24 =	vadd.f32 v53, v24;
	_ =	sdelay $0x1  }
0xa0: {  	v21 =	vmul.f32 v52, v16;
	v20 =	vadd.f32 v56, v20;
	v57 =	vadd.f32 v25, v24;
	_ =	sdelay $0x1  }
0xa1: {  	v20 =	vadd.f32 v21, v20;
	(xrf2) =	vadd.scan.msk.f32 $0xffff, v57;
	_ =	sdelay $0x2  }
0xa2: {  	(xrf2) =	vadd.scan.msk.f32 $0xffff, v20  }
0xa3: {  	v20, _, _ =	vpop (xrf2)  }
0xa4: {  	v20 =	vbroadcast v20, $0xF;
	_ =	sdelay $0x1  }
0xa5: {  	v59 =	vmov s23;
	v58, _, _ =	vpop (xrf2);
	v20 =	vadd.f32 v20, v19  }
0xa6: {  	vm0 =	veq.s32 v59, v0;
	v21 =	vbroadcast v58, $0xF  }
0xa7: {  	s30 =	sadd.s32 $0x1, s23;
	v19 =	vsel vm0, v20, v19  }
0xa8: {  	v20 =	vmov s30;
	v21 =	vadd.f32 v21, v19;
	v60, _, _ =	vpop (xrf2)  }
0xa9: {  	vm13 =	veq.s32 v20, v0;
	v20 =	vbroadcast v60, $0xF  }
0xaa: {  	v19 =	vsel vm13, v21, v19  }
0xab: {  	v61 =	vmov s22;
	v62, _, _ =	vpop (xrf2);
	v20 =	vadd.f32 v20, v19  }
0xac: {  	vm14 =	veq.s32 v61, v0;
	v63 =	vbroadcast v62, $0xF  }
0xad: {  	s31 =	sadd.s32 $0x1, s22;
	v19 =	vsel vm14, v20, v19  }
0xae: {  	v20 =	vmov s31;
	v21 =	vadd.f32 v63, v19  }
0xaf: {  	vm15 =	veq.s32 v20, v0  }
0xb0: {  	v19 =	vsel vm15, v21, v19  }
0xb1: {  	v19 =	vsub.f32 $0.0e+00, v19;
	_ =	sdelay $0x1  }
0xb2: {  	v19 =	vmul.f32 $1.442695020e+00, v19;
	_ =	sdelay $0x1  }
0xb3: {  	(erf) = vpow2.f32 v19;
	_ =	sdelay $0x8  }
0xb4: {  	v19 =	vpop (erf)  }
0xb5: {  	v19 =	vadd.f32 $1.000000000e+00, v19;
	_ =	sdelay $0x1  }
0xb6: {  	(erf) = vrcp.f32 v19;
	_ =	sdelay $0x3  }
0xb7: {  	s20 =	sadd.s32 $0x1, s20  }
0xb8: {  	p1 =	seq.s32 s20, $0x8  }
.Ltmp1:
0xb9: {  	_ = 	snop;
	(pc) =	sbr.rel @!p1 .LBB2_4-.Ltmp1, $3  }
0xba: {  	_ =	sdelay $0x1  }
0xbb: {  	v19 =	vpop (erf)  }
0xbc: {  	s18 =	sadd.s32 $0x800, s18;
	s19 =	sadd.s32 $0x800, s19;
	[tilespmem:v18+s21+$0x0 ss:$0x1] =	vst.idx.msk $0xffff, v19  }
0xbd: {  	p1 =	seq.s32 s17, $0x4  }
.Ltmp2:
0xbe: {  	_ = 	snop;
	(pc) =	sbr.rel @!p1 .LBB2_3-.Ltmp2, $2  }
0xbf: {  	_ =	sdelay $0x2  }
0xc0: {  	p0 =	por !p0, !p0  }
0xc1: {  	s16 =	sadd.s32 $0x1, s16  }
0xc2: {  	p0 =	sne.s32 s16, s8  }
.Ltmp3:
0xc3: {  	_ = 	snop;
	(pc) =	sbr.rel @p0 .LBB2_1-.Ltmp3, $4  }
0xc4: {  	[hbm4b:s7+s4] =	stream.linear.scatter [tilespmem:s15], [sflag:$0x5], $0x200, $0x38;
	[tilespmem:$0x10780] =	vst v63  }
0xc5: {  	_ =	swait.ge [sflag:s9], $0x200  }
0xc6: {  	[sflag:s9] =	ssyncset.done $0x0  }
0xc7: {  	[sflag:s9] =	ssyncadd.s32 $0xFFFFFE00  }
0xc8: {  	_ =	sfence.sel $0x180000  }
0xc9: {  	[bflag:$0x0] =	sbarrier.arrive $0xFFFF  }
0xca: {  	p0 =	sne.s32 s3, $0x0;
	_ =	strace $0x90000047  }
0xcb: {  	s0 =	sadd.s32 @!p0 $0x100000, s0;
	[bflag:$0x2] =	sbarrier.arrive $0xFFFF  }
0xcc: {  	[sflag:s0] =	ssyncadd.tile.s32 @!p0 $0x1;
	_ =	shalt  }
.Lfunc_end2:
_tile_overlayer_lowered:
.L_overlay_start_2:
0xcd: {  	(tag) =	ssettag $0x2  }
0xce: {  	s0 =	rddreg [dreg:$0x0];
	s2 =	stileid.u32  }
0xcf: {  	s1 =	rddreg [dreg:$0x1];
	p0 =	sne.s32 s2, $0x0  }
0xd0: {  	s3 =	rddreg [dreg:$0x2];
	[bflag:$0x3] =	sbarrier.arrive $0xFFFF;
	s2 =	simm.s32 @!p0 $0x1C05  }
0xd1: {  	[timem:s3], [sflag:s2] =	dma.local @!p0 [hbm:s0], s1  }
0xd2: {  	s0 =	simm.s32 @!p0 $0x5  }
0xd3: {  	_ =	swait.ge @!p0 [sflag:s0], s1  }
0xd4: {  	s1 =	ssub.s32 @!p0 $0x0, s1;
	[sflag:s0] =	ssyncset.done @!p0 $0x0  }
0xd5: {  	[sflag:s0] =	ssyncadd.s32 @!p0 s1  }
0xd6: {  	[bflag:$0x3] =	sbarrier.arrive $0xFFFF  }
0xd7: {  	_ =	shalt  }

</sc_bundles>
